<compile_context>
chip_gen: v7x
topology: tpu7x:2x2x1
jax: 0.10.2.dev20260603
libtpu: 0.0.44.dev20260713+nightly
codegen_flags: <defaults>
</compile_context>

<pallas_src>
import functools

import jax
import jax.numpy as jnp
from jax import lax
from jax.experimental import pallas as pl
from jax.experimental.pallas import tpu as pltpu
from jax.experimental.pallas import tpu_sc as plsc

N_NODES = 10000
D = 128
N_PAD = 10240
ROWS_PER_SUBCORE = N_PAD // 16
CHUNK = 128
NW = 32
N_EDGES = 320000
CHUNKS_PER_W = (N_EDGES + NW * CHUNK - 1) // (NW * CHUNK)
EPW = CHUNKS_PER_W * CHUNK
E_PAD = EPW * NW

def _sc_degree_body(dst_hbm, ones_hbm, zeros_hbm, out_hbm, dstv, onesv, hist_sh):
    cid = lax.axis_index("c")
    sid = lax.axis_index("s")
    wid = cid * 16 + sid
    row0 = sid * ROWS_PER_SUBCORE
    pltpu.sync_copy(ones_hbm, onesv)
    pltpu.sync_copy(zeros_hbm, hist_sh.at[pl.ds(row0, ROWS_PER_SUBCORE)])
    plsc.subcore_barrier()

    def body(j, carry):
        base = wid * EPW + j * CHUNK
        pltpu.sync_copy(dst_hbm.at[pl.ds(base, CHUNK)], dstv)
        pltpu.sync_copy(onesv, hist_sh.at[dstv], add=True)
        return carry

    lax.fori_loop(0, CHUNKS_PER_W, body, 0)
    plsc.subcore_barrier()
    pltpu.sync_copy(hist_sh.at[pl.ds(row0, ROWS_PER_SUBCORE)],
                    out_hbm.at[cid, pl.ds(row0, ROWS_PER_SUBCORE)])


def _sc_aggregate_body(y_hbm, src_hbm, dst_hbm, zeros_hbm, out_hbm,
                       srcv, dstv, rows, acc_sh, sem):
    cid = lax.axis_index("c")
    sid = lax.axis_index("s")
    wid = cid * 16 + sid
    row0 = sid * ROWS_PER_SUBCORE
    pltpu.sync_copy(zeros_hbm, acc_sh.at[pl.ds(row0, ROWS_PER_SUBCORE)])
    plsc.subcore_barrier()

    def body(j, carry):
        base = wid * EPW + j * CHUNK
        pltpu.sync_copy(src_hbm.at[pl.ds(base, CHUNK)], srcv)
        pltpu.sync_copy(dst_hbm.at[pl.ds(base, CHUNK)], dstv)
        pltpu.async_copy(y_hbm.at[srcv], rows, sem).wait()
        pltpu.sync_copy(rows, acc_sh.at[dstv], add=True)
        return carry

    lax.fori_loop(0, CHUNKS_PER_W, body, 0)
    plsc.subcore_barrier()
    pltpu.sync_copy(acc_sh.at[pl.ds(row0, ROWS_PER_SUBCORE)],
                    out_hbm.at[cid, pl.ds(row0, ROWS_PER_SUBCORE)])


@functools.lru_cache(maxsize=None)
def _sc_kernels():
    mesh = plsc.VectorSubcoreMesh(core_axis_name="c", subcore_axis_name="s")
    sc_degree = pl.kernel(
        _sc_degree_body,
        out_type=jax.ShapeDtypeStruct((2, N_PAD), jnp.float32),
        mesh=mesh,
        scratch_types=[
            pltpu.VMEM((CHUNK,), jnp.int32),
            pltpu.VMEM((CHUNK,), jnp.float32),
            pltpu.VMEM_SHARED((N_PAD,), jnp.float32),
        ],
    )
    sc_aggregate = pl.kernel(
        _sc_aggregate_body,
        out_type=jax.ShapeDtypeStruct((2, N_PAD, D), jnp.float32),
        mesh=mesh,
        scratch_types=[
            pltpu.VMEM((CHUNK,), jnp.int32),
            pltpu.VMEM((CHUNK,), jnp.int32),
            pltpu.VMEM((CHUNK, D), jnp.float32),
            pltpu.VMEM_SHARED((N_PAD, D), jnp.float32),
            pltpu.SemaphoreType.DMA,
        ],
    )
    return sc_degree, sc_aggregate


_BLK = 1024
_GRID = N_PAD // _BLK


def _dinv_of(hist_blk):
    deg = hist_blk[0, :] + hist_blk[1, :] + 1.0
    return lax.rsqrt(deg)


def _tc_first_body(hist_ref, x_ref, w_ref, y_ref):
    dinv = _dinv_of(hist_ref[...])
    h = jnp.dot(x_ref[...], w_ref[...], preferred_element_type=jnp.float32)
    y_ref[...] = h * dinv[:, None]


def _tc_mid_body(hist_ref, agg_ref, y_ref, b_ref, w_ref, o_ref):
    dinv = _dinv_of(hist_ref[...])
    s = agg_ref[0] + agg_ref[1] + y_ref[...]
    x1 = jnp.maximum(s * dinv[:, None] + b_ref[...], 0.0)
    o_ref[...] = jnp.dot(x1, w_ref[...], preferred_element_type=jnp.float32) * dinv[:, None]


def _tc_last_body(hist_ref, agg_ref, y_ref, b_ref, o_ref):
    dinv = _dinv_of(hist_ref[...])
    s = agg_ref[0] + agg_ref[1] + y_ref[...]
    o_ref[...] = s * dinv[:, None] + b_ref[...]


_hist_spec = pl.BlockSpec((2, _BLK), lambda i: (0, i))
_row_spec = pl.BlockSpec((_BLK, D), lambda i: (i, 0))
_agg_spec = pl.BlockSpec((2, _BLK, D), lambda i: (0, i, 0))
_full_spec = pl.BlockSpec((D, D), lambda i: (0, 0))
_bias_spec = pl.BlockSpec((1, D), lambda i: (0, 0))
_out_shape = jax.ShapeDtypeStruct((N_PAD, D), jnp.float32)

_tc_first = pl.pallas_call(
    _tc_first_body, grid=(_GRID,),
    in_specs=[_hist_spec, _row_spec, _full_spec],
    out_specs=_row_spec, out_shape=_out_shape)

_tc_mid = pl.pallas_call(
    _tc_mid_body, grid=(_GRID,),
    in_specs=[_hist_spec, _agg_spec, _row_spec, _bias_spec, _full_spec],
    out_specs=_row_spec, out_shape=_out_shape)

_tc_last = pl.pallas_call(
    _tc_last_body, grid=(_GRID,),
    in_specs=[_hist_spec, _agg_spec, _row_spec, _bias_spec],
    out_specs=_row_spec, out_shape=_out_shape)


def kernel(emb, edge_index, W1, b1, W2, b2):
    src = edge_index[0].astype(jnp.int32)
    dst = edge_index[1].astype(jnp.int32)

    n_extra = E_PAD - N_EDGES
    pad_src = (jnp.arange(n_extra, dtype=jnp.int32) * 97) % N_NODES
    pad_dst = N_NODES + (jnp.arange(n_extra, dtype=jnp.int32) % (N_PAD - N_NODES))
    src_p = jnp.concatenate([src, pad_src])
    dst_p = jnp.concatenate([dst, pad_dst])

    emb_p = jnp.pad(emb, ((0, N_PAD - N_NODES), (0, 0)))
    ones128 = jnp.ones((CHUNK,), jnp.float32)
    zrow = jnp.zeros((ROWS_PER_SUBCORE,), jnp.float32)
    zblk = jnp.zeros((ROWS_PER_SUBCORE, D), jnp.float32)
    b1r = b1.reshape(1, D)
    b2r = b2.reshape(1, D)

    sc_degree, sc_aggregate = _sc_kernels()
    hist = sc_degree(dst_p, ones128, zrow)
    y1 = _tc_first(hist, emb_p, W1)
    agg1 = sc_aggregate(y1, src_p, dst_p, zblk)
    y2 = _tc_mid(hist, agg1, y1, b1r, W2)
    agg2 = sc_aggregate(y2, src_p, dst_p, zblk)
    out = _tc_last(hist, agg2, y2, b2r)
    return out[:N_NODES]

# --- scband reference (transcript-rebuilt; emitter-appended) ---
"""Pipeline reference for scband-gcn-6064493822473 (READ-ONLY COPY).

The authoritative reference and input builder live on the scoring server;
editing this copy changes nothing except your own understanding.
"""

import jax, jax.numpy as jnp
import numpy as np

N_NODES = 10000
N_EDGES = 320000
D_IN = 128
D_HID = 128


def gcn_conv(x, src, dst, n_nodes, W, b):
    # x' = x @ W, then symmetric-normalized aggregation with self-loops
    x = x @ W
    loops = jnp.arange(n_nodes, dtype=src.dtype)
    src2 = jnp.concatenate([src, loops])
    dst2 = jnp.concatenate([dst, loops])
    ones = jnp.ones_like(dst2, dtype=x.dtype)
    deg = jax.ops.segment_sum(ones, dst2, num_segments=n_nodes)
    dinv = jnp.where(deg > 0, 1.0 / jnp.sqrt(deg), 0.0)
    norm = dinv[src2] * dinv[dst2]
    msg = x[src2] * norm[:, None]
    out = jax.ops.segment_sum(msg, dst2, num_segments=n_nodes)
    return out + b


def setup_inputs(seed: int = 0) -> dict:
    key = jax.random.key(seed)
    k_e, k_emb, k_w1, k_b1, k_w2, k_b2 = jax.random.split(key, 6)
    edge_index = jax.random.randint(k_e, (2, N_EDGES), 0, N_NODES, dtype=jnp.int64)
    emb = jax.random.normal(k_emb, (N_NODES, D_IN), dtype=jnp.float32)
    W1 = jax.random.normal(k_w1, (D_IN, D_HID), dtype=jnp.float32) * (1.0 / np.sqrt(D_IN))
    b1 = jnp.zeros((D_HID,), dtype=jnp.float32)
    W2 = jax.random.normal(k_w2, (D_HID, D_HID), dtype=jnp.float32) * (1.0 / np.sqrt(D_HID))
    b2 = jnp.zeros((D_HID,), dtype=jnp.float32)
    return {"emb": emb, "edge_index": edge_index, "W1": W1, "b1": b1, "W2": W2, "b2": b2}


def reference(emb, edge_index, W1, b1, W2, b2):
    src = edge_index[0]
    dst = edge_index[1]
    # layer 1: GCNConv -> relu (dropout p=0.0 / eval mode -> identity)
    x = gcn_conv(emb, src, dst, N_NODES, W1, b1)
    x = jax.nn.relu(x)
    # layer 2 (final): GCNConv, no activation
    x = gcn_conv(x, src, dst, N_NODES, W2, b2)
    return x

if __name__ == "__main__":
    import jax
    _d = setup_inputs()
    print(jax.jit(kernel)(*tuple(_d.values())))

</pallas_src>

<mosaic_0001>
#map = affine_map<(d0, d1) -> (0)>
#map1 = affine_map<(d0, d1) -> (0, 0)>
module attributes {stable_mosaic.version = 14 : i64} {
  func.func @_sc_degree_body(%arg0: i32, %arg1: i32, %arg2: memref<323584xi32, #tpu.memory_space<hbm>>, %arg3: memref<128xf32, #tpu.memory_space<hbm>>, %arg4: memref<640xf32, #tpu.memory_space<hbm>>, %arg5: memref<2x10240xf32, #tpu.memory_space<hbm>>, %arg6: memref<128xi32, #tpu.memory_space<vmem>>, %arg7: memref<128xf32, #tpu.memory_space<vmem>>, %arg8: memref<10240xf32, #tpu.memory_space<vmem_shared>>) attributes {dimension_semantics = [#tpu.dimension_semantics<core_parallel>, #tpu.dimension_semantics<subcore_parallel>], iteration_bounds = array<i64: 2, 16>, scalar_prefetch = 0 : i64, scratch_operands = 3 : i64, tpu.core_type = #tpu.core_type<sc_vector_subcore>, window_params = [{transform_indices = #map}, {transform_indices = #map}, {transform_indices = #map}, {transform_indices = #map1}]} {
    %mul3A = arith.constant 16 : i32
    %mul3A_0 = arith.muli %arg0, %mul3A : i32
    %add3A = arith.addi %mul3A_0, %arg1 : i32
    %mul3A_1 = arith.constant 640 : i32
    %mul3A_2 = arith.muli %arg1, %mul3A_1 : i32
    "tpu.region"() ({
      %run_scoped3A = tpu.sem_alloc : memref<!tpu.dma_semaphore, #tpu.memory_space<semaphore_mem>>
      tpu.enqueue_dma source(%arg3 : memref<128xf32, #tpu.memory_space<hbm>>) target(%arg7 : memref<128xf32, #tpu.memory_space<vmem>>) target_semaphore(%run_scoped3A : memref<!tpu.dma_semaphore, #tpu.memory_space<semaphore_mem>>)
      tpu.wait_dma2 semaphore(%run_scoped3A : memref<!tpu.dma_semaphore, #tpu.memory_space<semaphore_mem>>) src(%arg3 : memref<128xf32, #tpu.memory_space<hbm>>) dst(%arg7 : memref<128xf32, #tpu.memory_space<vmem>>)
      tpu.yield
    }) : () -> ()
    "tpu.region"() ({
      %run_scoped3A = tpu.sem_alloc : memref<!tpu.dma_semaphore, #tpu.memory_space<semaphore_mem>>
      %dma_start3A = tpu.memref_slice %arg8[%mul3A_2] : memref<10240xf32, #tpu.memory_space<vmem_shared>> -> memref<640xf32, #tpu.memory_space<vmem_shared>>
      tpu.enqueue_dma source(%arg4 : memref<640xf32, #tpu.memory_space<hbm>>) target(%dma_start3A : memref<640xf32, #tpu.memory_space<vmem_shared>>) target_semaphore(%run_scoped3A : memref<!tpu.dma_semaphore, #tpu.memory_space<semaphore_mem>>)
      %dma_wait3A = tpu.memref_slice %arg8[%mul3A_2] : memref<10240xf32, #tpu.memory_space<vmem_shared>> -> memref<640xf32, #tpu.memory_space<vmem_shared>>
      tpu.wait_dma2 semaphore(%run_scoped3A : memref<!tpu.dma_semaphore, #tpu.memory_space<semaphore_mem>>) src(%arg4 : memref<640xf32, #tpu.memory_space<hbm>>) dst(%dma_wait3A : memref<640xf32, #tpu.memory_space<vmem_shared>>)
      tpu.yield
    }) : () -> ()
    %barrier3A = arith.constant 0 : index
    tpu.barrier barrier_id(%barrier3A)
    %scan3A = arith.constant 0 : i32
    %scan3A_3 = arith.constant 0 : i32
    %scan3A_4 = arith.constant 79 : i32
    %scan3A_5 = arith.addi %scan3A_3, %scan3A_4 : i32
    %scan3A_6 = arith.constant 1 : i32
    scf.for %scan3A_9 = %scan3A_3 to %scan3A_5 step %scan3A_6  : i32 {
      %mul3A_10 = arith.constant 10112 : i32
      %mul3A_11 = arith.muli %add3A, %mul3A_10 : i32
      %mul3A_12 = arith.constant 128 : i32
      %mul3A_13 = arith.muli %scan3A_9, %mul3A_12 : i32
      %add3A_14 = arith.addi %mul3A_11, %mul3A_13 : i32
      "tpu.region"() ({
        %run_scoped3A = tpu.sem_alloc : memref<!tpu.dma_semaphore, #tpu.memory_space<semaphore_mem>>
        %dma_start3A = tpu.memref_slice %arg2[%add3A_14] : memref<323584xi32, #tpu.memory_space<hbm>> -> memref<128xi32, #tpu.memory_space<hbm>>
        %dma_start3A_15 = tpu.memref_slice %arg2[%add3A_14] : memref<323584xi32, #tpu.memory_space<hbm>> -> memref<128xi32, #tpu.memory_space<hbm>>
        tpu.enqueue_dma source(%dma_start3A_15 : memref<128xi32, #tpu.memory_space<hbm>>) target(%arg6 : memref<128xi32, #tpu.memory_space<vmem>>) target_semaphore(%run_scoped3A : memref<!tpu.dma_semaphore, #tpu.memory_space<semaphore_mem>>)
        %dma_wait3A = tpu.memref_slice %arg2[%add3A_14] : memref<323584xi32, #tpu.memory_space<hbm>> -> memref<128xi32, #tpu.memory_space<hbm>>
        %dma_wait3A_16 = tpu.memref_slice %arg2[%add3A_14] : memref<323584xi32, #tpu.memory_space<hbm>> -> memref<128xi32, #tpu.memory_space<hbm>>
        tpu.wait_dma2 semaphore(%run_scoped3A : memref<!tpu.dma_semaphore, #tpu.memory_space<semaphore_mem>>) src(%dma_wait3A_16 : memref<128xi32, #tpu.memory_space<hbm>>) dst(%arg6 : memref<128xi32, #tpu.memory_space<vmem>>)
        tpu.yield
      }) : () -> ()
      "tpu.region"() ({
        %run_scoped3A = tpu.sem_alloc : memref<!tpu.dma_semaphore, #tpu.memory_space<semaphore_mem>>
        %dma_start3A = arith.constant 0 : i32
        %dma_start3A_15 = tpu.memref_slice %arg8[%dma_start3A] : memref<10240xf32, #tpu.memory_space<vmem_shared>> -> memref<10240xf32, #tpu.memory_space<vmem_shared>>
        tpu.enqueue_indirect_dma source(%arg7 : memref<128xf32, #tpu.memory_space<vmem>>) target(%dma_start3A_15 : memref<10240xf32, #tpu.memory_space<vmem_shared>>) offsets(%arg6 : memref<128xi32, #tpu.memory_space<vmem>>) semaphore(%run_scoped3A : memref<!tpu.dma_semaphore, #tpu.memory_space<semaphore_mem>>) {add = true}
        %dma_wait3A = arith.constant 0 : i32
        %dma_wait3A_16 = tpu.memref_slice %arg8[%dma_wait3A] : memref<10240xf32, #tpu.memory_space<vmem_shared>> -> memref<10240xf32, #tpu.memory_space<vmem_shared>>
        tpu.wait_indirect_dma semaphore(%run_scoped3A : memref<!tpu.dma_semaphore, #tpu.memory_space<semaphore_mem>>) src(%arg7 : memref<128xf32, #tpu.memory_space<vmem>>) dst(%dma_wait3A_16 : memref<10240xf32, #tpu.memory_space<vmem_shared>>)
        tpu.yield
      }) : () -> ()
    }
    %scan3A_7 = arith.constant 79 : i32
    %barrier3A_8 = arith.constant 0 : index
    tpu.barrier barrier_id(%barrier3A_8)
    "tpu.region"() ({
      %run_scoped3A = tpu.sem_alloc : memref<!tpu.dma_semaphore, #tpu.memory_space<semaphore_mem>>
      %dma_start3A = tpu.memref_slice %arg5[%arg0, %mul3A_2] : memref<2x10240xf32, #tpu.memory_space<hbm>> -> memref<1x640xf32, #tpu.memory_space<hbm>>
      %dma_start3A_9 = tpu.memref_squeeze %dma_start3A : memref<1x640xf32, #tpu.memory_space<hbm>> -> memref<640xf32, #tpu.memory_space<hbm>>
      %dma_start3A_10 = tpu.memref_slice %arg8[%mul3A_2] : memref<10240xf32, #tpu.memory_space<vmem_shared>> -> memref<640xf32, #tpu.memory_space<vmem_shared>>
      tpu.enqueue_dma source(%dma_start3A_10 : memref<640xf32, #tpu.memory_space<vmem_shared>>) target(%dma_start3A_9 : memref<640xf32, #tpu.memory_space<hbm>>) target_semaphore(%run_scoped3A : memref<!tpu.dma_semaphore, #tpu.memory_space<semaphore_mem>>)
      %dma_wait3A = tpu.memref_slice %arg5[%arg0, %mul3A_2] : memref<2x10240xf32, #tpu.memory_space<hbm>> -> memref<1x640xf32, #tpu.memory_space<hbm>>
      %dma_wait3A_11 = tpu.memref_squeeze %dma_wait3A : memref<1x640xf32, #tpu.memory_space<hbm>> -> memref<640xf32, #tpu.memory_space<hbm>>
      %dma_wait3A_12 = tpu.memref_slice %arg8[%mul3A_2] : memref<10240xf32, #tpu.memory_space<vmem_shared>> -> memref<640xf32, #tpu.memory_space<vmem_shared>>
      tpu.wait_dma2 semaphore(%run_scoped3A : memref<!tpu.dma_semaphore, #tpu.memory_space<semaphore_mem>>) src(%dma_wait3A_12 : memref<640xf32, #tpu.memory_space<vmem_shared>>) dst(%dma_wait3A_11 : memref<640xf32, #tpu.memory_space<hbm>>)
      tpu.yield
    }) : () -> ()
    return
  }
}

#map = affine_map<(d0, d1) -> (0, 0)>
#map1 = affine_map<(d0, d1) -> (0)>
#map2 = affine_map<(d0, d1) -> (0, 0, 0)>
module attributes {stable_mosaic.version = 14 : i64} {
  func.func @_sc_aggregate_body(%arg0: i32, %arg1: i32, %arg2: memref<10240x128xf32, #tpu.memory_space<hbm>>, %arg3: memref<323584xi32, #tpu.memory_space<hbm>>, %arg4: memref<323584xi32, #tpu.memory_space<hbm>>, %arg5: memref<640x128xf32, #tpu.memory_space<hbm>>, %arg6: memref<2x10240x128xf32, #tpu.memory_space<hbm>>, %arg7: memref<128xi32, #tpu.memory_space<vmem>>, %arg8: memref<128xi32, #tpu.memory_space<vmem>>, %arg9: memref<128x128xf32, #tpu.memory_space<vmem>>, %arg10: memref<10240x128xf32, #tpu.memory_space<vmem_shared>>, %arg11: memref<!tpu.dma_semaphore, #tpu.memory_space<semaphore_mem>>) attributes {dimension_semantics = [#tpu.dimension_semantics<core_parallel>, #tpu.dimension_semantics<subcore_parallel>], iteration_bounds = array<i64: 2, 16>, scalar_prefetch = 0 : i64, scratch_operands = 5 : i64, tpu.core_type = #tpu.core_type<sc_vector_subcore>, window_params = [{transform_indices = #map}, {transform_indices = #map1}, {transform_indices = #map1}, {transform_indices = #map}, {transform_indices = #map2}]} {
    %mul3A = arith.constant 16 : i32
    %mul3A_0 = arith.muli %arg0, %mul3A : i32
    %add3A = arith.addi %mul3A_0, %arg1 : i32
    %mul3A_1 = arith.constant 640 : i32
    %mul3A_2 = arith.muli %arg1, %mul3A_1 : i32
    "tpu.region"() ({
      %run_scoped3A = tpu.sem_alloc : memref<!tpu.dma_semaphore, #tpu.memory_space<semaphore_mem>>
      %dma_start3A = arith.constant 0 : i32
      %dma_start3A_9 = tpu.memref_slice %arg10[%mul3A_2, %dma_start3A] : memref<10240x128xf32, #tpu.memory_space<vmem_shared>> -> memref<640x128xf32, #tpu.memory_space<vmem_shared>>
      tpu.enqueue_dma source(%arg5 : memref<640x128xf32, #tpu.memory_space<hbm>>) target(%dma_start3A_9 : memref<640x128xf32, #tpu.memory_space<vmem_shared>>) target_semaphore(%run_scoped3A : memref<!tpu.dma_semaphore, #tpu.memory_space<semaphore_mem>>)
      %dma_wait3A = arith.constant 0 : i32
      %dma_wait3A_10 = tpu.memref_slice %arg10[%mul3A_2, %dma_wait3A] : memref<10240x128xf32, #tpu.memory_space<vmem_shared>> -> memref<640x128xf32, #tpu.memory_space<vmem_shared>>
      tpu.wait_dma2 semaphore(%run_scoped3A : memref<!tpu.dma_semaphore, #tpu.memory_space<semaphore_mem>>) src(%arg5 : memref<640x128xf32, #tpu.memory_space<hbm>>) dst(%dma_wait3A_10 : memref<640x128xf32, #tpu.memory_space<vmem_shared>>)
      tpu.yield
    }) : () -> ()
    %barrier3A = arith.constant 0 : index
    tpu.barrier barrier_id(%barrier3A)
    %scan3A = arith.constant 0 : i32
    %scan3A_3 = arith.constant 0 : i32
    %scan3A_4 = arith.constant 79 : i32
    %scan3A_5 = arith.addi %scan3A_3, %scan3A_4 : i32
    %scan3A_6 = arith.constant 1 : i32
    scf.for %scan3A_9 = %scan3A_3 to %scan3A_5 step %scan3A_6  : i32 {
      %mul3A_10 = arith.constant 10112 : i32
      %mul3A_11 = arith.muli %add3A, %mul3A_10 : i32
      %mul3A_12 = arith.constant 128 : i32
      %mul3A_13 = arith.muli %scan3A_9, %mul3A_12 : i32
      %add3A_14 = arith.addi %mul3A_11, %mul3A_13 : i32
      "tpu.region"() ({
        %run_scoped3A = tpu.sem_alloc : memref<!tpu.dma_semaphore, #tpu.memory_space<semaphore_mem>>
        %dma_start3A_19 = tpu.memref_slice %arg3[%add3A_14] : memref<323584xi32, #tpu.memory_space<hbm>> -> memref<128xi32, #tpu.memory_space<hbm>>
        %dma_start3A_20 = tpu.memref_slice %arg3[%add3A_14] : memref<323584xi32, #tpu.memory_space<hbm>> -> memref<128xi32, #tpu.memory_space<hbm>>
        tpu.enqueue_dma source(%dma_start3A_20 : memref<128xi32, #tpu.memory_space<hbm>>) target(%arg7 : memref<128xi32, #tpu.memory_space<vmem>>) target_semaphore(%run_scoped3A : memref<!tpu.dma_semaphore, #tpu.memory_space<semaphore_mem>>)
        %dma_wait3A_21 = tpu.memref_slice %arg3[%add3A_14] : memref<323584xi32, #tpu.memory_space<hbm>> -> memref<128xi32, #tpu.memory_space<hbm>>
        %dma_wait3A_22 = tpu.memref_slice %arg3[%add3A_14] : memref<323584xi32, #tpu.memory_space<hbm>> -> memref<128xi32, #tpu.memory_space<hbm>>
        tpu.wait_dma2 semaphore(%run_scoped3A : memref<!tpu.dma_semaphore, #tpu.memory_space<semaphore_mem>>) src(%dma_wait3A_22 : memref<128xi32, #tpu.memory_space<hbm>>) dst(%arg7 : memref<128xi32, #tpu.memory_space<vmem>>)
        tpu.yield
      }) : () -> ()
      "tpu.region"() ({
        %run_scoped3A = tpu.sem_alloc : memref<!tpu.dma_semaphore, #tpu.memory_space<semaphore_mem>>
        %dma_start3A_19 = tpu.memref_slice %arg4[%add3A_14] : memref<323584xi32, #tpu.memory_space<hbm>> -> memref<128xi32, #tpu.memory_space<hbm>>
        %dma_start3A_20 = tpu.memref_slice %arg4[%add3A_14] : memref<323584xi32, #tpu.memory_space<hbm>> -> memref<128xi32, #tpu.memory_space<hbm>>
        tpu.enqueue_dma source(%dma_start3A_20 : memref<128xi32, #tpu.memory_space<hbm>>) target(%arg8 : memref<128xi32, #tpu.memory_space<vmem>>) target_semaphore(%run_scoped3A : memref<!tpu.dma_semaphore, #tpu.memory_space<semaphore_mem>>)
        %dma_wait3A_21 = tpu.memref_slice %arg4[%add3A_14] : memref<323584xi32, #tpu.memory_space<hbm>> -> memref<128xi32, #tpu.memory_space<hbm>>
        %dma_wait3A_22 = tpu.memref_slice %arg4[%add3A_14] : memref<323584xi32, #tpu.memory_space<hbm>> -> memref<128xi32, #tpu.memory_space<hbm>>
        tpu.wait_dma2 semaphore(%run_scoped3A : memref<!tpu.dma_semaphore, #tpu.memory_space<semaphore_mem>>) src(%dma_wait3A_22 : memref<128xi32, #tpu.memory_space<hbm>>) dst(%arg8 : memref<128xi32, #tpu.memory_space<vmem>>)
        tpu.yield
      }) : () -> ()
      %dma_start3A = arith.constant 0 : i32
      %dma_start3A_15 = arith.constant 0 : i32
      %dma_start3A_16 = tpu.memref_slice %arg2[%dma_start3A, %dma_start3A_15] : memref<10240x128xf32, #tpu.memory_space<hbm>> -> memref<10240x128xf32, #tpu.memory_space<hbm>>
      tpu.enqueue_indirect_dma source(%dma_start3A_16 : memref<10240x128xf32, #tpu.memory_space<hbm>>) target(%arg9 : memref<128x128xf32, #tpu.memory_space<vmem>>) offsets(%arg7 : memref<128xi32, #tpu.memory_space<vmem>>) semaphore(%arg11 : memref<!tpu.dma_semaphore, #tpu.memory_space<semaphore_mem>>)
      %dma_wait3A = arith.constant 0 : i32
      %dma_wait3A_17 = arith.constant 0 : i32
      %dma_wait3A_18 = tpu.memref_slice %arg2[%dma_wait3A, %dma_wait3A_17] : memref<10240x128xf32, #tpu.memory_space<hbm>> -> memref<10240x128xf32, #tpu.memory_space<hbm>>
      tpu.wait_indirect_dma semaphore(%arg11 : memref<!tpu.dma_semaphore, #tpu.memory_space<semaphore_mem>>) src(%dma_wait3A_18 : memref<10240x128xf32, #tpu.memory_space<hbm>>) dst(%arg9 : memref<128x128xf32, #tpu.memory_space<vmem>>)
      "tpu.region"() ({
        %run_scoped3A = tpu.sem_alloc : memref<!tpu.dma_semaphore, #tpu.memory_space<semaphore_mem>>
        %dma_start3A_19 = arith.constant 0 : i32
        %dma_start3A_20 = arith.constant 0 : i32
        %dma_start3A_21 = tpu.memref_slice %arg10[%dma_start3A_19, %dma_start3A_20] : memref<10240x128xf32, #tpu.memory_space<vmem_shared>> -> memref<10240x128xf32, #tpu.memory_space<vmem_shared>>
        tpu.enqueue_indirect_dma source(%arg9 : memref<128x128xf32, #tpu.memory_space<vmem>>) target(%dma_start3A_21 : memref<10240x128xf32, #tpu.memory_space<vmem_shared>>) offsets(%arg8 : memref<128xi32, #tpu.memory_space<vmem>>) semaphore(%run_scoped3A : memref<!tpu.dma_semaphore, #tpu.memory_space<semaphore_mem>>) {add = true}
        %dma_wait3A_22 = arith.constant 0 : i32
        %dma_wait3A_23 = arith.constant 0 : i32
        %dma_wait3A_24 = tpu.memref_slice %arg10[%dma_wait3A_22, %dma_wait3A_23] : memref<10240x128xf32, #tpu.memory_space<vmem_shared>> -> memref<10240x128xf32, #tpu.memory_space<vmem_shared>>
        tpu.wait_indirect_dma semaphore(%run_scoped3A : memref<!tpu.dma_semaphore, #tpu.memory_space<semaphore_mem>>) src(%arg9 : memref<128x128xf32, #tpu.memory_space<vmem>>) dst(%dma_wait3A_24 : memref<10240x128xf32, #tpu.memory_space<vmem_shared>>)
        tpu.yield
      }) : () -> ()
    }
    %scan3A_7 = arith.constant 79 : i32
    %barrier3A_8 = arith.constant 0 : index
    tpu.barrier barrier_id(%barrier3A_8)
    "tpu.region"() ({
      %run_scoped3A = tpu.sem_alloc : memref<!tpu.dma_semaphore, #tpu.memory_space<semaphore_mem>>
      %dma_start3A = arith.constant 0 : i32
      %dma_start3A_9 = tpu.memref_slice %arg6[%arg0, %mul3A_2, %dma_start3A] : memref<2x10240x128xf32, #tpu.memory_space<hbm>> -> memref<1x640x128xf32, #tpu.memory_space<hbm>>
      %dma_start3A_10 = tpu.memref_squeeze %dma_start3A_9 : memref<1x640x128xf32, #tpu.memory_space<hbm>> -> memref<640x128xf32, #tpu.memory_space<hbm>>
      %dma_start3A_11 = arith.constant 0 : i32
      %dma_start3A_12 = tpu.memref_slice %arg10[%mul3A_2, %dma_start3A_11] : memref<10240x128xf32, #tpu.memory_space<vmem_shared>> -> memref<640x128xf32, #tpu.memory_space<vmem_shared>>
      tpu.enqueue_dma source(%dma_start3A_12 : memref<640x128xf32, #tpu.memory_space<vmem_shared>>) target(%dma_start3A_10 : memref<640x128xf32, #tpu.memory_space<hbm>>) target_semaphore(%run_scoped3A : memref<!tpu.dma_semaphore, #tpu.memory_space<semaphore_mem>>)
      %dma_wait3A = arith.constant 0 : i32
      %dma_wait3A_13 = tpu.memref_slice %arg6[%arg0, %mul3A_2, %dma_wait3A] : memref<2x10240x128xf32, #tpu.memory_space<hbm>> -> memref<1x640x128xf32, #tpu.memory_space<hbm>>
      %dma_wait3A_14 = tpu.memref_squeeze %dma_wait3A_13 : memref<1x640x128xf32, #tpu.memory_space<hbm>> -> memref<640x128xf32, #tpu.memory_space<hbm>>
      %dma_wait3A_15 = arith.constant 0 : i32
      %dma_wait3A_16 = tpu.memref_slice %arg10[%mul3A_2, %dma_wait3A_15] : memref<10240x128xf32, #tpu.memory_space<vmem_shared>> -> memref<640x128xf32, #tpu.memory_space<vmem_shared>>
      tpu.wait_dma2 semaphore(%run_scoped3A : memref<!tpu.dma_semaphore, #tpu.memory_space<semaphore_mem>>) src(%dma_wait3A_16 : memref<640x128xf32, #tpu.memory_space<vmem_shared>>) dst(%dma_wait3A_14 : memref<640x128xf32, #tpu.memory_space<hbm>>)
      tpu.yield
    }) : () -> ()
    return
  }
}

#map = affine_map<(d0, d1) -> (0, 0)>
#map1 = affine_map<(d0, d1) -> (0)>
#map2 = affine_map<(d0, d1) -> (0, 0, 0)>
module attributes {stable_mosaic.version = 14 : i64} {
  func.func @_sc_aggregate_body(%arg0: i32, %arg1: i32, %arg2: memref<10240x128xf32, #tpu.memory_space<hbm>>, %arg3: memref<323584xi32, #tpu.memory_space<hbm>>, %arg4: memref<323584xi32, #tpu.memory_space<hbm>>, %arg5: memref<640x128xf32, #tpu.memory_space<hbm>>, %arg6: memref<2x10240x128xf32, #tpu.memory_space<hbm>>, %arg7: memref<128xi32, #tpu.memory_space<vmem>>, %arg8: memref<128xi32, #tpu.memory_space<vmem>>, %arg9: memref<128x128xf32, #tpu.memory_space<vmem>>, %arg10: memref<10240x128xf32, #tpu.memory_space<vmem_shared>>, %arg11: memref<!tpu.dma_semaphore, #tpu.memory_space<semaphore_mem>>) attributes {dimension_semantics = [#tpu.dimension_semantics<core_parallel>, #tpu.dimension_semantics<subcore_parallel>], iteration_bounds = array<i64: 2, 16>, scalar_prefetch = 0 : i64, scratch_operands = 5 : i64, tpu.core_type = #tpu.core_type<sc_vector_subcore>, window_params = [{transform_indices = #map}, {transform_indices = #map1}, {transform_indices = #map1}, {transform_indices = #map}, {transform_indices = #map2}]} {
    %mul3A = arith.constant 16 : i32
    %mul3A_0 = arith.muli %arg0, %mul3A : i32
    %add3A = arith.addi %mul3A_0, %arg1 : i32
    %mul3A_1 = arith.constant 640 : i32
    %mul3A_2 = arith.muli %arg1, %mul3A_1 : i32
    "tpu.region"() ({
      %run_scoped3A = tpu.sem_alloc : memref<!tpu.dma_semaphore, #tpu.memory_space<semaphore_mem>>
      %dma_start3A = arith.constant 0 : i32
      %dma_start3A_9 = tpu.memref_slice %arg10[%mul3A_2, %dma_start3A] : memref<10240x128xf32, #tpu.memory_space<vmem_shared>> -> memref<640x128xf32, #tpu.memory_space<vmem_shared>>
      tpu.enqueue_dma source(%arg5 : memref<640x128xf32, #tpu.memory_space<hbm>>) target(%dma_start3A_9 : memref<640x128xf32, #tpu.memory_space<vmem_shared>>) target_semaphore(%run_scoped3A : memref<!tpu.dma_semaphore, #tpu.memory_space<semaphore_mem>>)
      %dma_wait3A = arith.constant 0 : i32
      %dma_wait3A_10 = tpu.memref_slice %arg10[%mul3A_2, %dma_wait3A] : memref<10240x128xf32, #tpu.memory_space<vmem_shared>> -> memref<640x128xf32, #tpu.memory_space<vmem_shared>>
      tpu.wait_dma2 semaphore(%run_scoped3A : memref<!tpu.dma_semaphore, #tpu.memory_space<semaphore_mem>>) src(%arg5 : memref<640x128xf32, #tpu.memory_space<hbm>>) dst(%dma_wait3A_10 : memref<640x128xf32, #tpu.memory_space<vmem_shared>>)
      tpu.yield
    }) : () -> ()
    %barrier3A = arith.constant 0 : index
    tpu.barrier barrier_id(%barrier3A)
    %scan3A = arith.constant 0 : i32
    %scan3A_3 = arith.constant 0 : i32
    %scan3A_4 = arith.constant 79 : i32
    %scan3A_5 = arith.addi %scan3A_3, %scan3A_4 : i32
    %scan3A_6 = arith.constant 1 : i32
    scf.for %scan3A_9 = %scan3A_3 to %scan3A_5 step %scan3A_6  : i32 {
      %mul3A_10 = arith.constant 10112 : i32
      %mul3A_11 = arith.muli %add3A, %mul3A_10 : i32
      %mul3A_12 = arith.constant 128 : i32
      %mul3A_13 = arith.muli %scan3A_9, %mul3A_12 : i32
      %add3A_14 = arith.addi %mul3A_11, %mul3A_13 : i32
      "tpu.region"() ({
        %run_scoped3A = tpu.sem_alloc : memref<!tpu.dma_semaphore, #tpu.memory_space<semaphore_mem>>
        %dma_start3A_19 = tpu.memref_slice %arg3[%add3A_14] : memref<323584xi32, #tpu.memory_space<hbm>> -> memref<128xi32, #tpu.memory_space<hbm>>
        %dma_start3A_20 = tpu.memref_slice %arg3[%add3A_14] : memref<323584xi32, #tpu.memory_space<hbm>> -> memref<128xi32, #tpu.memory_space<hbm>>
        tpu.enqueue_dma source(%dma_start3A_20 : memref<128xi32, #tpu.memory_space<hbm>>) target(%arg7 : memref<128xi32, #tpu.memory_space<vmem>>) target_semaphore(%run_scoped3A : memref<!tpu.dma_semaphore, #tpu.memory_space<semaphore_mem>>)
        %dma_wait3A_21 = tpu.memref_slice %arg3[%add3A_14] : memref<323584xi32, #tpu.memory_space<hbm>> -> memref<128xi32, #tpu.memory_space<hbm>>
        %dma_wait3A_22 = tpu.memref_slice %arg3[%add3A_14] : memref<323584xi32, #tpu.memory_space<hbm>> -> memref<128xi32, #tpu.memory_space<hbm>>
        tpu.wait_dma2 semaphore(%run_scoped3A : memref<!tpu.dma_semaphore, #tpu.memory_space<semaphore_mem>>) src(%dma_wait3A_22 : memref<128xi32, #tpu.memory_space<hbm>>) dst(%arg7 : memref<128xi32, #tpu.memory_space<vmem>>)
        tpu.yield
      }) : () -> ()
      "tpu.region"() ({
        %run_scoped3A = tpu.sem_alloc : memref<!tpu.dma_semaphore, #tpu.memory_space<semaphore_mem>>
        %dma_start3A_19 = tpu.memref_slice %arg4[%add3A_14] : memref<323584xi32, #tpu.memory_space<hbm>> -> memref<128xi32, #tpu.memory_space<hbm>>
        %dma_start3A_20 = tpu.memref_slice %arg4[%add3A_14] : memref<323584xi32, #tpu.memory_space<hbm>> -> memref<128xi32, #tpu.memory_space<hbm>>
        tpu.enqueue_dma source(%dma_start3A_20 : memref<128xi32, #tpu.memory_space<hbm>>) target(%arg8 : memref<128xi32, #tpu.memory_space<vmem>>) target_semaphore(%run_scoped3A : memref<!tpu.dma_semaphore, #tpu.memory_space<semaphore_mem>>)
        %dma_wait3A_21 = tpu.memref_slice %arg4[%add3A_14] : memref<323584xi32, #tpu.memory_space<hbm>> -> memref<128xi32, #tpu.memory_space<hbm>>
        %dma_wait3A_22 = tpu.memref_slice %arg4[%add3A_14] : memref<323584xi32, #tpu.memory_space<hbm>> -> memref<128xi32, #tpu.memory_space<hbm>>
        tpu.wait_dma2 semaphore(%run_scoped3A : memref<!tpu.dma_semaphore, #tpu.memory_space<semaphore_mem>>) src(%dma_wait3A_22 : memref<128xi32, #tpu.memory_space<hbm>>) dst(%arg8 : memref<128xi32, #tpu.memory_space<vmem>>)
        tpu.yield
      }) : () -> ()
      %dma_start3A = arith.constant 0 : i32
      %dma_start3A_15 = arith.constant 0 : i32
      %dma_start3A_16 = tpu.memref_slice %arg2[%dma_start3A, %dma_start3A_15] : memref<10240x128xf32, #tpu.memory_space<hbm>> -> memref<10240x128xf32, #tpu.memory_space<hbm>>
      tpu.enqueue_indirect_dma source(%dma_start3A_16 : memref<10240x128xf32, #tpu.memory_space<hbm>>) target(%arg9 : memref<128x128xf32, #tpu.memory_space<vmem>>) offsets(%arg7 : memref<128xi32, #tpu.memory_space<vmem>>) semaphore(%arg11 : memref<!tpu.dma_semaphore, #tpu.memory_space<semaphore_mem>>)
      %dma_wait3A = arith.constant 0 : i32
      %dma_wait3A_17 = arith.constant 0 : i32
      %dma_wait3A_18 = tpu.memref_slice %arg2[%dma_wait3A, %dma_wait3A_17] : memref<10240x128xf32, #tpu.memory_space<hbm>> -> memref<10240x128xf32, #tpu.memory_space<hbm>>
      tpu.wait_indirect_dma semaphore(%arg11 : memref<!tpu.dma_semaphore, #tpu.memory_space<semaphore_mem>>) src(%dma_wait3A_18 : memref<10240x128xf32, #tpu.memory_space<hbm>>) dst(%arg9 : memref<128x128xf32, #tpu.memory_space<vmem>>)
      "tpu.region"() ({
        %run_scoped3A = tpu.sem_alloc : memref<!tpu.dma_semaphore, #tpu.memory_space<semaphore_mem>>
        %dma_start3A_19 = arith.constant 0 : i32
        %dma_start3A_20 = arith.constant 0 : i32
        %dma_start3A_21 = tpu.memref_slice %arg10[%dma_start3A_19, %dma_start3A_20] : memref<10240x128xf32, #tpu.memory_space<vmem_shared>> -> memref<10240x128xf32, #tpu.memory_space<vmem_shared>>
        tpu.enqueue_indirect_dma source(%arg9 : memref<128x128xf32, #tpu.memory_space<vmem>>) target(%dma_start3A_21 : memref<10240x128xf32, #tpu.memory_space<vmem_shared>>) offsets(%arg8 : memref<128xi32, #tpu.memory_space<vmem>>) semaphore(%run_scoped3A : memref<!tpu.dma_semaphore, #tpu.memory_space<semaphore_mem>>) {add = true}
        %dma_wait3A_22 = arith.constant 0 : i32
        %dma_wait3A_23 = arith.constant 0 : i32
        %dma_wait3A_24 = tpu.memref_slice %arg10[%dma_wait3A_22, %dma_wait3A_23] : memref<10240x128xf32, #tpu.memory_space<vmem_shared>> -> memref<10240x128xf32, #tpu.memory_space<vmem_shared>>
        tpu.wait_indirect_dma semaphore(%run_scoped3A : memref<!tpu.dma_semaphore, #tpu.memory_space<semaphore_mem>>) src(%arg9 : memref<128x128xf32, #tpu.memory_space<vmem>>) dst(%dma_wait3A_24 : memref<10240x128xf32, #tpu.memory_space<vmem_shared>>)
        tpu.yield
      }) : () -> ()
    }
    %scan3A_7 = arith.constant 79 : i32
    %barrier3A_8 = arith.constant 0 : index
    tpu.barrier barrier_id(%barrier3A_8)
    "tpu.region"() ({
      %run_scoped3A = tpu.sem_alloc : memref<!tpu.dma_semaphore, #tpu.memory_space<semaphore_mem>>
      %dma_start3A = arith.constant 0 : i32
      %dma_start3A_9 = tpu.memref_slice %arg6[%arg0, %mul3A_2, %dma_start3A] : memref<2x10240x128xf32, #tpu.memory_space<hbm>> -> memref<1x640x128xf32, #tpu.memory_space<hbm>>
      %dma_start3A_10 = tpu.memref_squeeze %dma_start3A_9 : memref<1x640x128xf32, #tpu.memory_space<hbm>> -> memref<640x128xf32, #tpu.memory_space<hbm>>
      %dma_start3A_11 = arith.constant 0 : i32
      %dma_start3A_12 = tpu.memref_slice %arg10[%mul3A_2, %dma_start3A_11] : memref<10240x128xf32, #tpu.memory_space<vmem_shared>> -> memref<640x128xf32, #tpu.memory_space<vmem_shared>>
      tpu.enqueue_dma source(%dma_start3A_12 : memref<640x128xf32, #tpu.memory_space<vmem_shared>>) target(%dma_start3A_10 : memref<640x128xf32, #tpu.memory_space<hbm>>) target_semaphore(%run_scoped3A : memref<!tpu.dma_semaphore, #tpu.memory_space<semaphore_mem>>)
      %dma_wait3A = arith.constant 0 : i32
      %dma_wait3A_13 = tpu.memref_slice %arg6[%arg0, %mul3A_2, %dma_wait3A] : memref<2x10240x128xf32, #tpu.memory_space<hbm>> -> memref<1x640x128xf32, #tpu.memory_space<hbm>>
      %dma_wait3A_14 = tpu.memref_squeeze %dma_wait3A_13 : memref<1x640x128xf32, #tpu.memory_space<hbm>> -> memref<640x128xf32, #tpu.memory_space<hbm>>
      %dma_wait3A_15 = arith.constant 0 : i32
      %dma_wait3A_16 = tpu.memref_slice %arg10[%mul3A_2, %dma_wait3A_15] : memref<10240x128xf32, #tpu.memory_space<vmem_shared>> -> memref<640x128xf32, #tpu.memory_space<vmem_shared>>
      tpu.wait_dma2 semaphore(%run_scoped3A : memref<!tpu.dma_semaphore, #tpu.memory_space<semaphore_mem>>) src(%dma_wait3A_16 : memref<640x128xf32, #tpu.memory_space<vmem_shared>>) dst(%dma_wait3A_14 : memref<640x128xf32, #tpu.memory_space<hbm>>)
      tpu.yield
    }) : () -> ()
    return
  }
}

module attributes {stable_mosaic.version = 14 : i64} {
  func.func @_tc_first_body(%arg0: i32, %arg1: memref<2x1024xf32, #tpu.memory_space<vmem>>, %arg2: memref<1024x128xf32, #tpu.memory_space<vmem>>, %arg3: memref<128x128xf32, #tpu.memory_space<vmem>>, %arg4: memref<1024x128xf32, #tpu.memory_space<vmem>>) attributes {dimension_semantics = [#tpu.dimension_semantics<arbitrary>], iteration_bounds = array<i64: 10>, scalar_prefetch = 0 : i64, scratch_operands = 0 : i64, tpu.core_type = #tpu.core_type<tc>, window_params = [{transform_indices = @transform_0, window_bounds = array<i64: 2, 1024>}, {transform_indices = @transform_1, window_bounds = array<i64: 1024, 128>}, {pipeline_mode = #tpu.pipeline_mode<synchronous>, transform_indices = @transform_2, window_bounds = array<i64: 128, 128>}, {transform_indices = @transform_3, window_bounds = array<i64: 1024, 128>}]} {
    %get3A = arith.constant 0 : index
    %get3A_0 = arith.constant 0 : index
    %get3A_1 = vector.load %arg1[%get3A, %get3A_0] : memref<2x1024xf32, #tpu.memory_space<vmem>>, vector<2x1024xf32>
    %slice3A = vector.extract_strided_slice %get3A_1 {offsets = [0, 0], sizes = [1, 1024], strides = [1, 1]} : vector<2x1024xf32> to vector<1x1024xf32>
    %squeeze3A = vector.shape_cast %slice3A : vector<1x1024xf32> to vector<1024xf32>
    %slice3A_2 = vector.extract_strided_slice %get3A_1 {offsets = [1, 0], sizes = [1, 1024], strides = [1, 1]} : vector<2x1024xf32> to vector<1x1024xf32>
    %squeeze3A_3 = vector.shape_cast %slice3A_2 : vector<1x1024xf32> to vector<1024xf32>
    %add3A = arith.addf %squeeze3A, %squeeze3A_3 : vector<1024xf32>
    %add3A_4 = arith.constant 1.000000e+00 : f32
    %add3A_5 = vector.broadcast %add3A_4 : f32 to vector<1024xf32>
    %add3A_6 = arith.addf %add3A, %add3A_5 : vector<1024xf32>
    %rsqrt3A = math.rsqrt %add3A_6 : vector<1024xf32>
    %get3A_7 = arith.constant 0 : index
    %get3A_8 = arith.constant 0 : index
    %get3A_9 = vector.load %arg2[%get3A_7, %get3A_8] : memref<1024x128xf32, #tpu.memory_space<vmem>>, vector<1024x128xf32>
    %get3A_10 = arith.constant 0 : index
    %get3A_11 = arith.constant 0 : index
    %get3A_12 = vector.load %arg3[%get3A_10, %get3A_11] : memref<128x128xf32, #tpu.memory_space<vmem>>, vector<128x128xf32>
    %dot_general3A = arith.constant dense<0.000000e+00> : vector<1024x128xf32>
    %dot_general3A_13 = tpu.matmul %get3A_9, %get3A_12, %dot_general3A {dimension_numbers = #tpu.dot_dimension_numbers<[1], [0], [0], [1], [0, 0, 1, 1], [], []>, transpose_lhs_hint = false} : vector<1024x128xf32>, vector<128x128xf32>, vector<1024x128xf32> -> vector<1024x128xf32>
    %broadcast_in_dim3A = vector.shape_cast %rsqrt3A : vector<1024xf32> to vector<1024x1xf32>
    %mul3A = vector.broadcast %broadcast_in_dim3A : vector<1024x1xf32> to vector<1024x128xf32>
    %mul3A_14 = arith.mulf %dot_general3A_13, %mul3A : vector<1024x128xf32>
    %swap3A = arith.constant 0 : index
    %swap3A_15 = arith.constant 0 : index
    %swap3A_16 = vector.load %arg4[%swap3A, %swap3A_15] : memref<1024x128xf32, #tpu.memory_space<vmem>>, vector<1024x128xf32>
    tpu.vector_store %arg4[%swap3A, %swap3A_15], %mul3A_14 {strides = array<i32>} : memref<1024x128xf32, #tpu.memory_space<vmem>>, vector<1024x128xf32>,
    return
  }
  func.func @transform_0(%arg0: i32) -> (i32, i32) {
    %c0_i32 = arith.constant 0 : i32
    %c0_i32_0 = arith.constant 0 : i32
    return %c0_i32, %arg0 : i32, i32
  }
  func.func @transform_1(%arg0: i32) -> (i32, i32) {
    %c0_i32 = arith.constant 0 : i32
    %c0_i32_0 = arith.constant 0 : i32
    return %arg0, %c0_i32 : i32, i32
  }
  func.func @transform_2(%arg0: i32) -> (i32, i32) {
    %c0_i32 = arith.constant 0 : i32
    %c0_i32_0 = arith.constant 0 : i32
    %c0_i32_1 = arith.constant 0 : i32
    return %c0_i32, %c0_i32_0 : i32, i32
  }
  func.func @transform_3(%arg0: i32) -> (i32, i32) {
    %c0_i32 = arith.constant 0 : i32
    %c0_i32_0 = arith.constant 0 : i32
    return %arg0, %c0_i32 : i32, i32
  }
}

module attributes {stable_mosaic.version = 14 : i64} {
  func.func @_tc_mid_body(%arg0: i32, %arg1: memref<2x1024xf32, #tpu.memory_space<vmem>>, %arg2: memref<2x1024x128xf32, #tpu.memory_space<vmem>>, %arg3: memref<1024x128xf32, #tpu.memory_space<vmem>>, %arg4: memref<1x128xf32, #tpu.memory_space<vmem>>, %arg5: memref<128x128xf32, #tpu.memory_space<vmem>>, %arg6: memref<1024x128xf32, #tpu.memory_space<vmem>>) attributes {dimension_semantics = [#tpu.dimension_semantics<arbitrary>], iteration_bounds = array<i64: 10>, scalar_prefetch = 0 : i64, scratch_operands = 0 : i64, tpu.core_type = #tpu.core_type<tc>, window_params = [{transform_indices = @transform_0, window_bounds = array<i64: 2, 1024>}, {transform_indices = @transform_1, window_bounds = array<i64: 2, 1024, 128>}, {transform_indices = @transform_2, window_bounds = array<i64: 1024, 128>}, {pipeline_mode = #tpu.pipeline_mode<synchronous>, transform_indices = @transform_3, window_bounds = array<i64: 1, 128>}, {pipeline_mode = #tpu.pipeline_mode<synchronous>, transform_indices = @transform_4, window_bounds = array<i64: 128, 128>}, {transform_indices = @transform_5, window_bounds = array<i64: 1024, 128>}]} {
    %get3A = arith.constant 0 : index
    %get3A_0 = arith.constant 0 : index
    %get3A_1 = vector.load %arg1[%get3A, %get3A_0] : memref<2x1024xf32, #tpu.memory_space<vmem>>, vector<2x1024xf32>
    %slice3A = vector.extract_strided_slice %get3A_1 {offsets = [0, 0], sizes = [1, 1024], strides = [1, 1]} : vector<2x1024xf32> to vector<1x1024xf32>
    %squeeze3A = vector.shape_cast %slice3A : vector<1x1024xf32> to vector<1024xf32>
    %slice3A_2 = vector.extract_strided_slice %get3A_1 {offsets = [1, 0], sizes = [1, 1024], strides = [1, 1]} : vector<2x1024xf32> to vector<1x1024xf32>
    %squeeze3A_3 = vector.shape_cast %slice3A_2 : vector<1x1024xf32> to vector<1024xf32>
    %add3A = arith.addf %squeeze3A, %squeeze3A_3 : vector<1024xf32>
    %add3A_4 = arith.constant 1.000000e+00 : f32
    %add3A_5 = vector.broadcast %add3A_4 : f32 to vector<1024xf32>
    %add3A_6 = arith.addf %add3A, %add3A_5 : vector<1024xf32>
    %rsqrt3A = math.rsqrt %add3A_6 : vector<1024xf32>
    %get3A_7 = arith.constant 0 : index
    %get3A_8 = arith.constant 0 : index
    %get3A_9 = arith.constant 0 : index
    %get3A_10 = vector.load %arg2[%get3A_7, %get3A_8, %get3A_9] : memref<2x1024x128xf32, #tpu.memory_space<vmem>>, vector<1x1024x128xf32>
    %get3A_11 = vector.shape_cast %get3A_10 : vector<1x1024x128xf32> to vector<1024x128xf32>
    %get3A_12 = arith.constant 1 : index
    %get3A_13 = arith.constant 0 : index
    %get3A_14 = arith.constant 0 : index
    %get3A_15 = vector.load %arg2[%get3A_12, %get3A_13, %get3A_14] : memref<2x1024x128xf32, #tpu.memory_space<vmem>>, vector<1x1024x128xf32>
    %get3A_16 = vector.shape_cast %get3A_15 : vector<1x1024x128xf32> to vector<1024x128xf32>
    %add3A_17 = arith.addf %get3A_11, %get3A_16 : vector<1024x128xf32>
    %get3A_18 = arith.constant 0 : index
    %get3A_19 = arith.constant 0 : index
    %get3A_20 = vector.load %arg3[%get3A_18, %get3A_19] : memref<1024x128xf32, #tpu.memory_space<vmem>>, vector<1024x128xf32>
    %add3A_21 = arith.addf %add3A_17, %get3A_20 : vector<1024x128xf32>
    %broadcast_in_dim3A = vector.shape_cast %rsqrt3A : vector<1024xf32> to vector<1024x1xf32>
    %mul3A = vector.broadcast %broadcast_in_dim3A : vector<1024x1xf32> to vector<1024x128xf32>
    %mul3A_22 = arith.mulf %add3A_21, %mul3A : vector<1024x128xf32>
    %get3A_23 = arith.constant 0 : index
    %get3A_24 = arith.constant 0 : index
    %get3A_25 = vector.load %arg4[%get3A_23, %get3A_24] : memref<1x128xf32, #tpu.memory_space<vmem>>, vector<1x128xf32>
    %add3A_26 = vector.broadcast %get3A_25 : vector<1x128xf32> to vector<1024x128xf32>
    %add3A_27 = arith.addf %mul3A_22, %add3A_26 : vector<1024x128xf32>
    %max3A = arith.constant 0.000000e+00 : f32
    %max3A_28 = vector.broadcast %max3A : f32 to vector<1024x128xf32>
    %max3A_29 = arith.maximumf %add3A_27, %max3A_28 : vector<1024x128xf32>
    %get3A_30 = arith.constant 0 : index
    %get3A_31 = arith.constant 0 : index
    %get3A_32 = vector.load %arg5[%get3A_30, %get3A_31] : memref<128x128xf32, #tpu.memory_space<vmem>>, vector<128x128xf32>
    %dot_general3A = arith.constant dense<0.000000e+00> : vector<1024x128xf32>
    %dot_general3A_33 = tpu.matmul %max3A_29, %get3A_32, %dot_general3A {dimension_numbers = #tpu.dot_dimension_numbers<[1], [0], [0], [1], [0, 0, 1, 1], [], []>, transpose_lhs_hint = false} : vector<1024x128xf32>, vector<128x128xf32>, vector<1024x128xf32> -> vector<1024x128xf32>
    %broadcast_in_dim3A_34 = vector.shape_cast %rsqrt3A : vector<1024xf32> to vector<1024x1xf32>
    %mul3A_35 = vector.broadcast %broadcast_in_dim3A_34 : vector<1024x1xf32> to vector<1024x128xf32>
    %mul3A_36 = arith.mulf %dot_general3A_33, %mul3A_35 : vector<1024x128xf32>
    %swap3A = arith.constant 0 : index
    %swap3A_37 = arith.constant 0 : index
    %swap3A_38 = vector.load %arg6[%swap3A, %swap3A_37] : memref<1024x128xf32, #tpu.memory_space<vmem>>, vector<1024x128xf32>
    tpu.vector_store %arg6[%swap3A, %swap3A_37], %mul3A_36 {strides = array<i32>} : memref<1024x128xf32, #tpu.memory_space<vmem>>, vector<1024x128xf32>,
    return
  }
  func.func @transform_0(%arg0: i32) -> (i32, i32) {
    %c0_i32 = arith.constant 0 : i32
    %c0_i32_0 = arith.constant 0 : i32
    return %c0_i32, %arg0 : i32, i32
  }
  func.func @transform_1(%arg0: i32) -> (i32, i32, i32) {
    %c0_i32 = arith.constant 0 : i32
    %c0_i32_0 = arith.constant 0 : i32
    %c0_i32_1 = arith.constant 0 : i32
    return %c0_i32, %arg0, %c0_i32_0 : i32, i32, i32
  }
  func.func @transform_2(%arg0: i32) -> (i32, i32) {
    %c0_i32 = arith.constant 0 : i32
    %c0_i32_0 = arith.constant 0 : i32
    return %arg0, %c0_i32 : i32, i32
  }
  func.func @transform_3(%arg0: i32) -> (i32, i32) {
    %c0_i32 = arith.constant 0 : i32
    %c0_i32_0 = arith.constant 0 : i32
    %c0_i32_1 = arith.constant 0 : i32
    return %c0_i32, %c0_i32_0 : i32, i32
  }
  func.func @transform_4(%arg0: i32) -> (i32, i32) {
    %c0_i32 = arith.constant 0 : i32
    %c0_i32_0 = arith.constant 0 : i32
    %c0_i32_1 = arith.constant 0 : i32
    return %c0_i32, %c0_i32_0 : i32, i32
  }
  func.func @transform_5(%arg0: i32) -> (i32, i32) {
    %c0_i32 = arith.constant 0 : i32
    %c0_i32_0 = arith.constant 0 : i32
    return %arg0, %c0_i32 : i32, i32
  }
}

module attributes {stable_mosaic.version = 14 : i64} {
  func.func @_tc_last_body(%arg0: i32, %arg1: memref<2x1024xf32, #tpu.memory_space<vmem>>, %arg2: memref<2x1024x128xf32, #tpu.memory_space<vmem>>, %arg3: memref<1024x128xf32, #tpu.memory_space<vmem>>, %arg4: memref<1x128xf32, #tpu.memory_space<vmem>>, %arg5: memref<1024x128xf32, #tpu.memory_space<vmem>>) attributes {dimension_semantics = [#tpu.dimension_semantics<arbitrary>], iteration_bounds = array<i64: 10>, scalar_prefetch = 0 : i64, scratch_operands = 0 : i64, tpu.core_type = #tpu.core_type<tc>, window_params = [{transform_indices = @transform_0, window_bounds = array<i64: 2, 1024>}, {transform_indices = @transform_1, window_bounds = array<i64: 2, 1024, 128>}, {transform_indices = @transform_2, window_bounds = array<i64: 1024, 128>}, {pipeline_mode = #tpu.pipeline_mode<synchronous>, transform_indices = @transform_3, window_bounds = array<i64: 1, 128>}, {transform_indices = @transform_4, window_bounds = array<i64: 1024, 128>}]} {
    %get3A = arith.constant 0 : index
    %get3A_0 = arith.constant 0 : index
    %get3A_1 = vector.load %arg1[%get3A, %get3A_0] : memref<2x1024xf32, #tpu.memory_space<vmem>>, vector<2x1024xf32>
    %slice3A = vector.extract_strided_slice %get3A_1 {offsets = [0, 0], sizes = [1, 1024], strides = [1, 1]} : vector<2x1024xf32> to vector<1x1024xf32>
    %squeeze3A = vector.shape_cast %slice3A : vector<1x1024xf32> to vector<1024xf32>
    %slice3A_2 = vector.extract_strided_slice %get3A_1 {offsets = [1, 0], sizes = [1, 1024], strides = [1, 1]} : vector<2x1024xf32> to vector<1x1024xf32>
    %squeeze3A_3 = vector.shape_cast %slice3A_2 : vector<1x1024xf32> to vector<1024xf32>
    %add3A = arith.addf %squeeze3A, %squeeze3A_3 : vector<1024xf32>
    %add3A_4 = arith.constant 1.000000e+00 : f32
    %add3A_5 = vector.broadcast %add3A_4 : f32 to vector<1024xf32>
    %add3A_6 = arith.addf %add3A, %add3A_5 : vector<1024xf32>
    %rsqrt3A = math.rsqrt %add3A_6 : vector<1024xf32>
    %get3A_7 = arith.constant 0 : index
    %get3A_8 = arith.constant 0 : index
    %get3A_9 = arith.constant 0 : index
    %get3A_10 = vector.load %arg2[%get3A_7, %get3A_8, %get3A_9] : memref<2x1024x128xf32, #tpu.memory_space<vmem>>, vector<1x1024x128xf32>
    %get3A_11 = vector.shape_cast %get3A_10 : vector<1x1024x128xf32> to vector<1024x128xf32>
    %get3A_12 = arith.constant 1 : index
    %get3A_13 = arith.constant 0 : index
    %get3A_14 = arith.constant 0 : index
    %get3A_15 = vector.load %arg2[%get3A_12, %get3A_13, %get3A_14] : memref<2x1024x128xf32, #tpu.memory_space<vmem>>, vector<1x1024x128xf32>
    %get3A_16 = vector.shape_cast %get3A_15 : vector<1x1024x128xf32> to vector<1024x128xf32>
    %add3A_17 = arith.addf %get3A_11, %get3A_16 : vector<1024x128xf32>
    %get3A_18 = arith.constant 0 : index
    %get3A_19 = arith.constant 0 : index
    %get3A_20 = vector.load %arg3[%get3A_18, %get3A_19] : memref<1024x128xf32, #tpu.memory_space<vmem>>, vector<1024x128xf32>
    %add3A_21 = arith.addf %add3A_17, %get3A_20 : vector<1024x128xf32>
    %broadcast_in_dim3A = vector.shape_cast %rsqrt3A : vector<1024xf32> to vector<1024x1xf32>
    %mul3A = vector.broadcast %broadcast_in_dim3A : vector<1024x1xf32> to vector<1024x128xf32>
    %mul3A_22 = arith.mulf %add3A_21, %mul3A : vector<1024x128xf32>
    %get3A_23 = arith.constant 0 : index
    %get3A_24 = arith.constant 0 : index
    %get3A_25 = vector.load %arg4[%get3A_23, %get3A_24] : memref<1x128xf32, #tpu.memory_space<vmem>>, vector<1x128xf32>
    %add3A_26 = vector.broadcast %get3A_25 : vector<1x128xf32> to vector<1024x128xf32>
    %add3A_27 = arith.addf %mul3A_22, %add3A_26 : vector<1024x128xf32>
    %swap3A = arith.constant 0 : index
    %swap3A_28 = arith.constant 0 : index
    %swap3A_29 = vector.load %arg5[%swap3A, %swap3A_28] : memref<1024x128xf32, #tpu.memory_space<vmem>>, vector<1024x128xf32>
    tpu.vector_store %arg5[%swap3A, %swap3A_28], %add3A_27 {strides = array<i32>} : memref<1024x128xf32, #tpu.memory_space<vmem>>, vector<1024x128xf32>,
    return
  }
  func.func @transform_0(%arg0: i32) -> (i32, i32) {
    %c0_i32 = arith.constant 0 : i32
    %c0_i32_0 = arith.constant 0 : i32
    return %c0_i32, %arg0 : i32, i32
  }
  func.func @transform_1(%arg0: i32) -> (i32, i32, i32) {
    %c0_i32 = arith.constant 0 : i32
    %c0_i32_0 = arith.constant 0 : i32
    %c0_i32_1 = arith.constant 0 : i32
    return %c0_i32, %arg0, %c0_i32_0 : i32, i32, i32
  }
  func.func @transform_2(%arg0: i32) -> (i32, i32) {
    %c0_i32 = arith.constant 0 : i32
    %c0_i32_0 = arith.constant 0 : i32
    return %arg0, %c0_i32 : i32, i32
  }
  func.func @transform_3(%arg0: i32) -> (i32, i32) {
    %c0_i32 = arith.constant 0 : i32
    %c0_i32_0 = arith.constant 0 : i32
    %c0_i32_1 = arith.constant 0 : i32
    return %c0_i32, %c0_i32_0 : i32, i32
  }
  func.func @transform_4(%arg0: i32) -> (i32, i32) {
    %c0_i32 = arith.constant 0 : i32
    %c0_i32_0 = arith.constant 0 : i32
    return %arg0, %c0_i32 : i32, i32
  }
}

</mosaic_0001>

<sc_bundles>
// kernel: kernel.11.cloned.1.call-start
scs
__scs_entry_jumppad:
0x0: {  	(pc) =	sbr.rel $0x88, $3  }
0x1: {  	(tag) =	ssettag $0x0;
	lr =	simm.s32 $0x1  }
0x2: {  	[smem:$0x3F9B] =	sst lr;
	_ =	strace $0xD0000000  }
0x3: {  	_ = 	snop  }
0x4: {  	_ = 	snop  }
0x5: {  	_ = 	snop  }
0x6: {  	_ = 	snop  }
0x7: {  	_ = 	snop  }
__scs_overlays_trampoline_lowered:
0x8: {  	[smem:$0x3FAA] =	sst s0  }
0x9: {  	[smem:$0x3FAB] =	sst s1  }
0xa: {  	[smem:$0x3FAC] =	sst s2  }
0xb: {  	[smem:$0x3FAD] =	sst s3  }
0xc: {  	[smem:$0x3FAE] =	sst s4  }
0xd: {  	[smem:$0x3FAF] =	sst s5  }
0xe: {  	[smem:$0x3FB0] =	sst s6  }
0xf: {  	[smem:$0x3FB1] =	sst s7  }
0x10: {  	[smem:$0x3FB2] =	sst s8  }
0x11: {  	[smem:$0x3FB3] =	sst s9;
	s0 =	simm.s32 @!p0 $0x0  }
0x12: {  	s1 =	sld [smem:$0x3F99];
	s0 =	simm.s32 @p0 $0x1  }
0x13: {  	[smem:$0x3FB4] =	sst s0;
	s0 =	simm.s32 @!p1 $0x0  }
0x14: {  	s2 =	sld [smem:$0x3F98];
	s0 =	simm.s32 @p1 $0x1  }
0x15: {  	[smem:$0x3FB5] =	sst s0;
	s0 =	simm.s32 @!p2 $0x0  }
0x16: {  	s3 =	sld [smem:$0x3FDB];
	s0 =	simm.s32 @p2 $0x1  }
0x17: {  	s4 =	simm.s32 $0x1BF5;
	[smem:$0x3FB7] =	sst s0  }
0x18: {  	s0 =	sld [smem:$0x3F9A];
	_ =	swait.ge [sflag:s4], $0x0  }
0x19: {  	s7 =	sld [smem:$0x3F9B]  }
0x1a: {  	s8 =	sadd.s32 $0xFFFFE003, lr  }
0x1b: {  	s9 =	sadd.s32 $0xFFFFFEF7, lr;
	s5 =	simm.s32 $0xFFFFFFFF;
	p2 =	slt.u32 s8, $0xFFFFF086  }
0x1c: {  	p1 =	slt.u32 s9, $0xF7A;
	s5 =	simm.s32 @!p2 $0x0  }
0x1d: {  	s5 =	simm.s32 @p1 $0x1;
	p0 =	seq.s32 s7, s2  }
0x1e: {  	s7 =	smul.u32 @!p0 $0xF7A, s2;
	p2 =	seq.s32 @!p0 s5, $0x0  }
0x1f: {  	s9 =	smul.u32 $0xF7A, s1;
	s8 =	simm.s32 @!p0 $0x1BF5;
	p2 =	por !p2, p0  }
0x20: {  	[sflag:s8] =	ssyncset.s32 @!p0 $0xFFFFF086;
	s6 =	sadd.s32 @!p0 s3, s7;
	s7 =	simm.s32 @!p0 $0x108  }
0x21: {  	s3 =	sadd.s32 s3, s9;
	s6 =	sadd.s32 @!p0 $0x88, s6;
	s7 =	simm.s32 @p2 $0x1082  }
0x22: {  	[simem:s7], [sflag:s8] =	dma.local @!p0 [hbm:s6], $0xF7A  }
0x23: {  	s9 =	sor.u32 $0xD0000000, s2;
	s6 =	simm.s32 $0x108;
	_ =	swait.ge @!p0 [sflag:s8], $0x0  }
0x24: {  	s3 =	sadd.s32 $0x88, s3;
	s6 =	simm.s32 @!p1 $0x1082;
	[sflag:s4] =	ssyncset.s32 $0xFFFFF086  }
0x25: {  	[simem:s6], [sflag:s4] =	dma.local [hbm:s3], $0xF7A  }
0x26: {  	[smem:$0x3F9B] =	sst s1;
	(tag) =	ssettag s2;
	_ =	strace s9  }
0x27: {  	s1 =	sld [smem:$0x3FAB]  }
0x28: {  	s2 =	sld [smem:$0x3FAC]  }
0x29: {  	s4 =	sld [smem:$0x3FAE]  }
0x2a: {  	p0 =	seq.s32 s5, $0x0;
	s5 =	sld [smem:$0x3FAF]  }
0x2b: {  	s6 =	sld [smem:$0x3FB0]  }
0x2c: {  	s7 =	sld [smem:$0x3FB1]  }
0x2d: {  	s3 =	simm.s32 $0x108;
	s8 =	sld [smem:$0x3FB2]  }
0x2e: {  	s3 =	simm.s32 @!p0 $0x1082;
	s9 =	sld [smem:$0x3FB3]  }
0x2f: {  	lr =	sadd.s32 s0, s3;
	s0 =	sld [smem:$0x3FAA]  }
0x30: {  	s3 =	sld [smem:$0x3FAD]  }
0x31: {  	[smem:$0x3FB6] =	sst s10  }
0x32: {  	s10 =	sld [smem:$0x3FB4];
	_ =	sdelay $0x3  }
0x33: {  	p0 =	seq.s32 s10, $0x1;
	s10 =	sld [smem:$0x3FB6];
	_ =	sdelay $0x3  }
0x34: {  	[smem:$0x3FB6] =	sst s10  }
0x35: {  	s10 =	sld [smem:$0x3FB5];
	_ =	sdelay $0x3  }
0x36: {  	p1 =	seq.s32 s10, $0x1;
	s10 =	sld [smem:$0x3FB6];
	_ =	sdelay $0x3  }
0x37: {  	[smem:$0x3FB6] =	sst s10  }
0x38: {  	s10 =	sld [smem:$0x3FB7]  }
0x39: {  	_ = 	snop;
	(pc) =	sbr.ind lr, $3  }
0x3a: {  	_ = 	snop  }
0x3b: {  	_ = 	snop  }
0x3c: {  	p2 =	seq.s32 s10, $0x1;
	s10 =	sld [smem:$0x3FB6]  }
0x3d: {  	_ =	shalt  }
0x3e: {  	_ =	shalt  }
0x3f: {  	_ =	shalt  }
0x40: {  	_ =	shalt  }
0x41: {  	_ =	shalt  }
0x42: {  	_ =	shalt  }
0x43: {  	_ =	shalt  }
0x44: {  	_ =	shalt  }
0x45: {  	_ =	shalt  }
0x46: {  	_ =	shalt  }
0x47: {  	_ =	shalt  }
0x48: {  	_ =	shalt  }
0x49: {  	_ =	shalt  }
0x4a: {  	_ =	shalt  }
0x4b: {  	_ =	shalt  }
0x4c: {  	_ =	shalt  }
0x4d: {  	_ =	shalt  }
0x4e: {  	_ =	shalt  }
0x4f: {  	_ =	shalt  }
0x50: {  	_ =	shalt  }
0x51: {  	_ =	shalt  }
0x52: {  	_ =	shalt  }
0x53: {  	_ =	shalt  }
0x54: {  	_ =	shalt  }
0x55: {  	_ =	shalt  }
0x56: {  	_ =	shalt  }
0x57: {  	_ =	shalt  }
0x58: {  	_ =	shalt  }
0x59: {  	_ =	shalt  }
0x5a: {  	_ =	shalt  }
0x5b: {  	_ =	shalt  }
0x5c: {  	_ =	shalt  }
0x5d: {  	_ =	shalt  }
0x5e: {  	_ =	shalt  }
0x5f: {  	_ =	shalt  }
0x60: {  	_ =	shalt  }
0x61: {  	_ =	shalt  }
0x62: {  	_ =	shalt  }
0x63: {  	_ =	shalt  }
0x64: {  	_ =	shalt  }
0x65: {  	_ =	shalt  }
0x66: {  	_ =	shalt  }
0x67: {  	_ =	shalt  }
0x68: {  	_ =	shalt  }
0x69: {  	_ =	shalt  }
0x6a: {  	_ =	shalt  }
0x6b: {  	_ =	shalt  }
0x6c: {  	_ =	shalt  }
0x6d: {  	_ =	shalt  }
0x6e: {  	_ =	shalt  }
0x6f: {  	_ =	shalt  }
0x70: {  	_ =	shalt  }
0x71: {  	_ =	shalt  }
0x72: {  	_ =	shalt  }
0x73: {  	_ =	shalt  }
0x74: {  	_ =	shalt  }
0x75: {  	_ =	shalt  }
0x76: {  	_ =	shalt  }
0x77: {  	_ =	shalt  }
0x78: {  	_ =	shalt  }
0x79: {  	_ =	shalt  }
0x7a: {  	_ =	shalt  }
0x7b: {  	_ =	shalt  }
0x7c: {  	_ =	shalt  }
0x7d: {  	_ =	shalt  }
0x7e: {  	_ =	shalt  }
0x7f: {  	_ =	shalt  }
0x80: {  	_ =	shalt  }
0x81: {  	_ =	shalt  }
0x82: {  	_ =	shalt  }
0x83: {  	_ =	shalt  }
0x84: {  	_ =	shalt  }
0x85: {  	_ =	shalt  }
0x86: {  	_ =	shalt  }
0x87: {  	_ =	shalt  }
.Lfunc_end0:
.L_simem_size_0:
called_computation.1_lowered:
.L_overlay_start_0:
0x88: {  	s2 =	sld [smem:$0x3FD9]  }
0x89: {  	s3 =	sld [smem:$0x3FFE];
	_ =	sdelay $0x1  }
0x8a: {  	s1 =	srdreg.scid  }
0x8b: {  	s0 =	sand.u32 $0x1, s1  }
0x8c: {  	s17 =	sshll.u32 s0, $0xA;
	s2 =	sadd.s32 s3, s2  }
0x8d: {  	s2 =	sadd.s32 s2, s17  }
0x8e: {  	[smem:$0x3FC2] =	sst s2  }
0x8f: {  	_ = 	snop  }
0x90: {  	s2 =	sld [smem:$0x3FD0];
	(tm) =	ssettm $0x1  }
0x91: {  	s18 =	sld [smem:$0x3FFB];
	_ =	sdelay $0x3  }
0x92: {  	_ =	strace s18  }
0x93: {  	s3 =	sld [smem:$0x3FFC];
	_ =	sdelay $0x3  }
0x94: {  	_ =	strace s3  }
0x95: {  	s3 =	sld [smem:$0x3FFD];
	_ =	sdelay $0x3  }
0x96: {  	_ =	strace s3  }
0x97: {  	_ =	strace $0x8FFFFFFF  }
0x98: {  	s19 =	sld [smem:$0x3FDB];
	_ =	sdelay $0x1  }
0x99: {  	s4 =	simm.s32 $_scs_section_size  }
0x9a: {  	s5 =	simm.s32 $_size__tile_overlayer_lowered;
	s6 =	simm.s32 $_tile_overlayer_lowered  }
0x9b: {  	s22 =	simm.s32 $0x1BFF;
	s21 =	sshll.u32 s6, $0x1;
	s3 =	sadd.s32 s4, s19  }
0x9c: {  	s7 =	simm.s32 $0x0;
	s20 =	sshll.u32 s5, $0x1;
	s5 =	sadd.s32 s21, s3  }
0x9d: {  	[timem:s7], [sflag:s22] =	dma.local [hbm:s5], s20  }
0x9e: {  	_ =	swait.ge [sflag:s22], s20  }
0x9f: {  	s4 =	ssub.s32 $0x0, s20;
	[sflag:s22] =	ssyncset.done $0x0  }
0xa0: {  	[sflag:s22] =	ssyncadd.s32 s4;
	_ =	sdelay $0x1  }
0xa1: {  	s23 =	simm.s32 $0x1B8B  }
0xa2: {  	_ =	swait.ge [sflag:s23], $0x1  }
0xa3: {  	[sflag:s23] =	ssyncset.done $0x0  }
0xa4: {  	s25 =	simm.s32 $0x1B8E;
	s24 =	sld [smem:$0x3FFE];
	[sflag:s23] =	ssyncadd.s32 $0xFFFFFFFF  }
0xa5: {  	s26 =	simm.s32 $execute0_lowered;
	[smem:$0x3FD2] =	sst s25  }
0xa6: {  	s5 =	sshll.u32 s26, $0x1;
	_ =	strace $0x80000049;
	[dreg:$0x1] =	wrdreg $0xFFFFFFFF  }
0xa7: {  	s28 =	simm.s32 $_size_execute0_lowered;
	s3 =	sadd.s32 s3, s5;
	[dreg:$0x0] =	wrdreg $0x0  }
0xa8: {  	s5 =	sshll.u32 s28, $0x1;
	[dreg:$0x2] =	wrdreg s3  }
0xa9: {  	[dreg:$0x3] =	wrdreg s5  }
0xaa: {  	[dreg:$0x4] =	wrdreg $0xC0  }
0xab: {  	_ =	task [dreg:s7], $0x5FFFF  }
0xac: {  	[dreg:$0x1] =	wrdreg $0xFFFFFFFF  }
0xad: {  	[dreg:$0x0] =	wrdreg $0x60  }
0xae: {  	[dreg:$0x2] =	wrdreg s24  }
0xaf: {  	[dreg:$0x3] =	wrdreg s2  }
0xb0: {  	[dreg:$0x4] =	wrdreg $0x41000  }
0xb1: {  	[dreg:$0x5] =	wrdreg $0x9  }
0xb2: {  	_ =	task.clear_ibuf [dreg:s7], $0x6FFFF;
	_ =	strace $0x90000049  }
0xb3: {  	s29 =	simm.s32 $0x9;
	_ =	strace $0x8000004B  }
0xb4: {  	_ =	swait.ge [sflag:s29], $0x1  }
0xb5: {  	[sflag:s29] =	ssyncadd.s32 $0xFFFFFFFF  }
0xb6: {  	_ =	strace $0x9000004B  }
0xb7: {  	_ =	sfence  }
0xb8: {  	s30 =	sld [smem:$0x0];
	_ =	sdelay $0x2  }
0xb9: {  	s31 =	sshll.u32 s1, $0xD;
	s1 =	sshrl.u32 s1, $0x2  }
0xba: {  	s3 =	sand.u32 $0x4000, s31;
	s1 =	sadd.s32 s1, s30  }
0xbb: {  	s0 =	sor.u32 s3, s0;
	s1 =	sshll.u32 s1, $0x11  }
0xbc: {  	s0 =	sor.u32 s1, s0  }
0xbd: {  	s0 =	sadd.s32 $0x8F2B, s0  }
0xbe: {  	[sflag:s0] =	ssyncadd.remote.s32 $0x1  }
0xbf: {  	_ =	sfence.sel $0xFFFF  }
0xc0: {  	[dreg:$0x0] =	wrdreg $0xFFFFFFFF;
	(pc) =	sbr.abs _section_cstart, $3  }
0xc1: {  	[dreg:$0x1] =	wrdreg $0xFFFFFFFF  }
0xc2: {  	_ =	task.clear_ibuf [dreg:s7], $0x2FFFF;
	_ =	strace $0x9FFFFFFF  }
0xc3: {  	(tm) =	ssettm $0x7FFFFFFF  }
tec
execute0_lowered:
.L_overlay_start_1:
0x0: {  	(tag) =	ssettag $0x1  }
0x1: {  	s6 =	rddreg [dreg:$0x0]  }
0x2: {  	s8 =	rddreg [dreg:$0x1]  }
0x3: {  	s0 =	srdreg.scid;
	s2 =	stileid.u32  }
0x4: {  	s1 =	rddreg [dreg:$0x2];
	s3 =	simm.s32 $0x0;
	s10 =	smul.u32 $0x14000, s2  }
0x5: {  	s15 =	simm.s32 $0x1;
	s16 =	simm.s32 $0x0;
	s12 =	smul.u32 $0x50000, s2  }
0x6: {  	s5 =	sand.u32 $0x1, s0;
	s0 =	rddreg [dreg:$0x3];
	s14 =	smul.u32 $0x4F0, s2  }
0x7: {  	[smem:$0x7FF] =	sst s3;
	s4 =	sadd.s32 $0xC800, s6;
	s9 =	smul.u32 $0x4F00, s5  }
0x8: {  	s13 =	sshll.u32 s2, $0x6;
	s7 =	smul.u32 $0x140000, s5;
	s30 =	ssub.s32 $0x2, s5  }
0x9: {  	_ =	strace $0x8000004A;
	s5 =	sadd.s32 $0x34800, s6;
	s31 =	sshrl.u32 s30, $0x1  }
0xa: {  	s12 =	sshrl.u32 s12, $0x2;
	s11 =	sadd.s32 s9, s6;
	s7 =	sadd.s32 s10, s7  }
0xb: {  	s10 =	ssub.s32 s30, s31;
	s12 =	sadd.s32 s12, s1;
	s9 =	sadd.s32 s9, s8  }
0xc: {  	s7 =	sshrl.u32 s7, $0x3;
	s11 =	sadd.s32 s14, s11;
	s8 =	smax.u32 s10, $0x1  }
0xd: {  	s9 =	sadd.s32 s14, s9;
	s14 =	simm.s32 $0x100;
	s7 =	sadd.s32 s7, s6  }
0xe: {  	s6 =	sor.u32 $0x1C02, s13;
	s10 =	sadd.s32 $0x2A00, s11;
	s11 =	sshrl.u32 s12, $0x3  }
0xf: {  	s12 =	simm.s32 $0x2;
	s13 =	simm.s32 $0x80;
	s7 =	sadd.s32 $0x37000, s7  }
.LBB2_1:
0x10: {  	[spmem:s11], [sflag:s6] =	dma.local [hbm:s5], $0x2800  }
0x11: {  	_ =	swait.ge [sflag:s12], $0x2800  }
0x12: {  	[sflag:s12] =	ssyncset.done $0x0  }
0x13: {  	[sflag:s12] =	ssyncadd.s32 $0xFFFFD800  }
0x14: {  	s17 =	sadd.s32 $0x0, s10;
	[bflag:$0x0] =	sbarrier.arrive $0xFFFF  }
0x15: {  	[tilespmem:s3], [sflag:$0x2] =	stream.linear.gather [hbm4b:s17+s3], $0x80, $0x38;
	[tilespmem:$0x18100] =	vst v63  }
0x16: {  	_ =	swait.ge [sflag:s12], $0x80  }
0x17: {  	[sflag:s12] =	ssyncset.done $0x0  }
0x18: {  	s31 =	sadd.s32 $0x0, s9;
	[sflag:s12] =	ssyncadd.s32 $0xFFFFFF80  }
0x19: {  	[tilespmem:s13], [sflag:$0x2] =	stream.linear.gather [hbm4b:s31+s3], $0x80, $0x38;
	[tilespmem:$0x18100] =	vst v63  }
0x1a: {  	_ =	swait.ge [sflag:s12], $0x80  }
0x1b: {  	[sflag:s12] =	ssyncset.done $0x0  }
0x1c: {  	[sflag:s12] =	ssyncadd.s32 $0xFFFFFF80  }
0x1d: {  	[tilespmem:s14], [sflag:$0x1] =	stream.indirect.gather [hbm4b:s4+s13], $0x80, s3, s13, $0xb8;
	[tilespmem:$0x18100] =	vst v63  }
0x1e: {  	_ =	swait.ge [sflag:s15], $0x4000  }
0x1f: {  	[sflag:s15] =	ssyncset.done $0x0  }
0x20: {  	[sflag:s15] =	ssyncadd.s32 $0xFFFFC000  }
0x21: {  	[spmem:s1] =	stream.indirect.scatter.add.f32 [tilespmem:s14], [sflag:$0x2], $0x80, s13, s13, $0xb8;
	[tilespmem:$0x18100] =	vst v63  }
0x22: {  	_ =	swait.ge [sflag:s12], $0x4000  }
0x23: {  	s18 =	simm.s32 $0x20;
	s17 =	simm.s32 $0x10;
	[sflag:s12] =	ssyncset.done $0x0  }
.LBB2_2:
0x24: {  	s19 =	sadd.s32 s17, s10  }
0x25: {  	[sflag:s12] =	ssyncadd.s32 $0xFFFFC000;
	s20 =	smov.u32 s18;
	s21 =	sadd.s32 $0x10, s18  }
0x26: {  	[tilespmem:s3], [sflag:$0x2] =	stream.linear.gather [hbm4b:s19+s3], $0x80, $0x38;
	[tilespmem:$0x18100] =	vst v63  }
0x27: {  	p0 =	sne.s32 s18, $0x4E0;
	_ =	swait.ge [sflag:s12], $0x80  }
0x28: {  	[sflag:s12] =	ssyncset.done $0x0  }
0x29: {  	s18 =	sadd.s32 s17, s9;
	s17 =	smov.u32 s20;
	[sflag:s12] =	ssyncadd.s32 $0xFFFFFF80  }
0x2a: {  	[tilespmem:s13], [sflag:$0x2] =	stream.linear.gather [hbm4b:s18+s3], $0x80, $0x38;
	[tilespmem:$0x18100] =	vst v63  }
0x2b: {  	_ =	swait.ge [sflag:s12], $0x80  }
0x2c: {  	[sflag:s12] =	ssyncset.done $0x0  }
0x2d: {  	[sflag:s12] =	ssyncadd.s32 $0xFFFFFF80  }
0x2e: {  	[tilespmem:s14], [sflag:$0x1] =	stream.indirect.gather [hbm4b:s4+s13], $0x80, s3, s13, $0xb8;
	[tilespmem:$0x18100] =	vst v63  }
0x2f: {  	_ =	swait.ge [sflag:s15], $0x4000  }
.Ltmp0:
0x30: {  	[sflag:s15] =	ssyncset.done $0x0;
	(pc) =	sbr.rel @p0 .LBB2_2-.Ltmp0, $4  }
0x31: {  	[sflag:s15] =	ssyncadd.s32 $0xFFFFC000  }
0x32: {  	[spmem:s1] =	stream.indirect.scatter.add.f32 [tilespmem:s14], [sflag:$0x2], $0x80, s13, s13, $0xb8;
	[tilespmem:$0x18100] =	vst v63  }
0x33: {  	_ =	swait.ge [sflag:s12], $0x4000  }
0x34: {  	s18 =	smov.u32 s21;
	[sflag:s12] =	ssyncset.done $0x0  }
0x35: {  	s18 =	sadd.s32 s17, s10;
	[sflag:s12] =	ssyncadd.s32 $0xFFFFC000  }
0x36: {  	[tilespmem:s3], [sflag:$0x2] =	stream.linear.gather [hbm4b:s18+s3], $0x80, $0x38;
	[tilespmem:$0x18100] =	vst v63  }
0x37: {  	_ =	swait.ge [sflag:s12], $0x80  }
0x38: {  	[sflag:s12] =	ssyncset.done $0x0  }
0x39: {  	s31 =	sadd.s32 s17, s9;
	[sflag:s12] =	ssyncadd.s32 $0xFFFFFF80  }
0x3a: {  	[tilespmem:s13], [sflag:$0x2] =	stream.linear.gather [hbm4b:s31+s3], $0x80, $0x38;
	[tilespmem:$0x18100] =	vst v63  }
0x3b: {  	_ =	swait.ge [sflag:s12], $0x80  }
0x3c: {  	[sflag:s12] =	ssyncset.done $0x0  }
0x3d: {  	[sflag:s12] =	ssyncadd.s32 $0xFFFFFF80  }
0x3e: {  	[tilespmem:s14], [sflag:$0x1] =	stream.indirect.gather [hbm4b:s4+s13], $0x80, s3, s13, $0xb8;
	[tilespmem:$0x18100] =	vst v63  }
0x3f: {  	_ =	swait.ge [sflag:s15], $0x4000  }
0x40: {  	[sflag:s15] =	ssyncset.done $0x0  }
0x41: {  	[sflag:s15] =	ssyncadd.s32 $0xFFFFC000  }
0x42: {  	[spmem:s1] =	stream.indirect.scatter.add.f32 [tilespmem:s14], [sflag:$0x2], $0x80, s13, s13, $0xb8;
	[tilespmem:$0x18100] =	vst v63  }
0x43: {  	_ =	swait.ge [sflag:s12], $0x4000  }
0x44: {  	s16 =	sadd.s32 $0x1, s16;
	[sflag:s12] =	ssyncset.done $0x0  }
0x45: {  	p0 =	sne.s32 s16, s8;
	[sflag:s12] =	ssyncadd.s32 $0xFFFFC000  }
.Ltmp1:
0x46: {  	[bflag:$0x0] =	sbarrier.arrive $0xFFFF;
	(pc) =	sbr.rel @p0 .LBB2_1-.Ltmp1, $4  }
0x47: {  	[hbm:s7], [sflag:s6] =	dma.local [spmem:s11], $0x2800  }
0x48: {  	_ =	swait.ge [sflag:s12], $0x2800  }
0x49: {  	[sflag:s12] =	ssyncset.done $0x0  }
0x4a: {  	[sflag:s12] =	ssyncadd.s32 $0xFFFFD800  }
0x4b: {  	_ =	sfence.sel $0x180000  }
0x4c: {  	[bflag:$0x0] =	sbarrier.arrive $0xFFFF  }
0x4d: {  	p0 =	sne.s32 s2, $0x0;
	_ =	strace $0x9000004A  }
0x4e: {  	s0 =	sadd.s32 @!p0 $0x100000, s0;
	[bflag:$0x2] =	sbarrier.arrive $0xFFFF  }
0x4f: {  	[sflag:s0] =	ssyncadd.tile.s32 @!p0 $0x1;
	_ =	shalt  }
.Lfunc_end2:
_tile_overlayer_lowered:
.L_overlay_start_2:
0x50: {  	(tag) =	ssettag $0x2  }
0x51: {  	s0 =	rddreg [dreg:$0x0];
	s2 =	stileid.u32  }
0x52: {  	s1 =	rddreg [dreg:$0x1];
	p0 =	sne.s32 s2, $0x0  }
0x53: {  	s3 =	rddreg [dreg:$0x2];
	[bflag:$0x3] =	sbarrier.arrive $0xFFFF;
	s2 =	simm.s32 @!p0 $0x1C02  }
0x54: {  	[timem:s3], [sflag:s2] =	dma.local @!p0 [hbm:s0], s1  }
0x55: {  	s0 =	simm.s32 @!p0 $0x2  }
0x56: {  	_ =	swait.ge @!p0 [sflag:s0], s1  }
0x57: {  	s1 =	ssub.s32 @!p0 $0x0, s1;
	[sflag:s0] =	ssyncset.done @!p0 $0x0  }
0x58: {  	[sflag:s0] =	ssyncadd.s32 @!p0 s1  }
0x59: {  	[bflag:$0x3] =	sbarrier.arrive $0xFFFF  }
0x5a: {  	_ =	shalt  }

// kernel: kernel.14.cloned.1.call-start
scs
__scs_entry_jumppad:
0x0: {  	(pc) =	sbr.rel $0x88, $3  }
0x1: {  	(tag) =	ssettag $0x0;
	lr =	simm.s32 $0x1  }
0x2: {  	[smem:$0x3F9B] =	sst lr;
	_ =	strace $0xD0000000  }
0x3: {  	_ = 	snop  }
0x4: {  	_ = 	snop  }
0x5: {  	_ = 	snop  }
0x6: {  	_ = 	snop  }
0x7: {  	_ = 	snop  }
__scs_overlays_trampoline_lowered:
0x8: {  	[smem:$0x3FAA] =	sst s0  }
0x9: {  	[smem:$0x3FAB] =	sst s1  }
0xa: {  	[smem:$0x3FAC] =	sst s2  }
0xb: {  	[smem:$0x3FAD] =	sst s3  }
0xc: {  	[smem:$0x3FAE] =	sst s4  }
0xd: {  	[smem:$0x3FAF] =	sst s5  }
0xe: {  	[smem:$0x3FB0] =	sst s6  }
0xf: {  	[smem:$0x3FB1] =	sst s7  }
0x10: {  	[smem:$0x3FB2] =	sst s8  }
0x11: {  	[smem:$0x3FB3] =	sst s9;
	s0 =	simm.s32 @!p0 $0x0  }
0x12: {  	s1 =	sld [smem:$0x3F99];
	s0 =	simm.s32 @p0 $0x1  }
0x13: {  	[smem:$0x3FB4] =	sst s0;
	s0 =	simm.s32 @!p1 $0x0  }
0x14: {  	s2 =	sld [smem:$0x3F98];
	s0 =	simm.s32 @p1 $0x1  }
0x15: {  	[smem:$0x3FB5] =	sst s0;
	s0 =	simm.s32 @!p2 $0x0  }
0x16: {  	s3 =	sld [smem:$0x3FDB];
	s0 =	simm.s32 @p2 $0x1  }
0x17: {  	s4 =	simm.s32 $0x1BF5;
	[smem:$0x3FB7] =	sst s0  }
0x18: {  	s0 =	sld [smem:$0x3F9A];
	_ =	swait.ge [sflag:s4], $0x0  }
0x19: {  	s7 =	sld [smem:$0x3F9B]  }
0x1a: {  	s8 =	sadd.s32 $0xFFFFE003, lr  }
0x1b: {  	s9 =	sadd.s32 $0xFFFFFEF7, lr;
	s5 =	simm.s32 $0xFFFFFFFF;
	p2 =	slt.u32 s8, $0xFFFFF086  }
0x1c: {  	p1 =	slt.u32 s9, $0xF7A;
	s5 =	simm.s32 @!p2 $0x0  }
0x1d: {  	s5 =	simm.s32 @p1 $0x1;
	p0 =	seq.s32 s7, s2  }
0x1e: {  	s7 =	smul.u32 @!p0 $0xF7A, s2;
	p2 =	seq.s32 @!p0 s5, $0x0  }
0x1f: {  	s9 =	smul.u32 $0xF7A, s1;
	s8 =	simm.s32 @!p0 $0x1BF5;
	p2 =	por !p2, p0  }
0x20: {  	[sflag:s8] =	ssyncset.s32 @!p0 $0xFFFFF086;
	s6 =	sadd.s32 @!p0 s3, s7;
	s7 =	simm.s32 @!p0 $0x108  }
0x21: {  	s3 =	sadd.s32 s3, s9;
	s6 =	sadd.s32 @!p0 $0x88, s6;
	s7 =	simm.s32 @p2 $0x1082  }
0x22: {  	[simem:s7], [sflag:s8] =	dma.local @!p0 [hbm:s6], $0xF7A  }
0x23: {  	s9 =	sor.u32 $0xD0000000, s2;
	s6 =	simm.s32 $0x108;
	_ =	swait.ge @!p0 [sflag:s8], $0x0  }
0x24: {  	s3 =	sadd.s32 $0x88, s3;
	s6 =	simm.s32 @!p1 $0x1082;
	[sflag:s4] =	ssyncset.s32 $0xFFFFF086  }
0x25: {  	[simem:s6], [sflag:s4] =	dma.local [hbm:s3], $0xF7A  }
0x26: {  	[smem:$0x3F9B] =	sst s1;
	(tag) =	ssettag s2;
	_ =	strace s9  }
0x27: {  	s1 =	sld [smem:$0x3FAB]  }
0x28: {  	s2 =	sld [smem:$0x3FAC]  }
0x29: {  	s4 =	sld [smem:$0x3FAE]  }
0x2a: {  	p0 =	seq.s32 s5, $0x0;
	s5 =	sld [smem:$0x3FAF]  }
0x2b: {  	s6 =	sld [smem:$0x3FB0]  }
0x2c: {  	s7 =	sld [smem:$0x3FB1]  }
0x2d: {  	s3 =	simm.s32 $0x108;
	s8 =	sld [smem:$0x3FB2]  }
0x2e: {  	s3 =	simm.s32 @!p0 $0x1082;
	s9 =	sld [smem:$0x3FB3]  }
0x2f: {  	lr =	sadd.s32 s0, s3;
	s0 =	sld [smem:$0x3FAA]  }
0x30: {  	s3 =	sld [smem:$0x3FAD]  }
0x31: {  	[smem:$0x3FB6] =	sst s10  }
0x32: {  	s10 =	sld [smem:$0x3FB4];
	_ =	sdelay $0x3  }
0x33: {  	p0 =	seq.s32 s10, $0x1;
	s10 =	sld [smem:$0x3FB6];
	_ =	sdelay $0x3  }
0x34: {  	[smem:$0x3FB6] =	sst s10  }
0x35: {  	s10 =	sld [smem:$0x3FB5];
	_ =	sdelay $0x3  }
0x36: {  	p1 =	seq.s32 s10, $0x1;
	s10 =	sld [smem:$0x3FB6];
	_ =	sdelay $0x3  }
0x37: {  	[smem:$0x3FB6] =	sst s10  }
0x38: {  	s10 =	sld [smem:$0x3FB7]  }
0x39: {  	_ = 	snop;
	(pc) =	sbr.ind lr, $3  }
0x3a: {  	_ = 	snop  }
0x3b: {  	_ = 	snop  }
0x3c: {  	p2 =	seq.s32 s10, $0x1;
	s10 =	sld [smem:$0x3FB6]  }
0x3d: {  	_ =	shalt  }
0x3e: {  	_ =	shalt  }
0x3f: {  	_ =	shalt  }
0x40: {  	_ =	shalt  }
0x41: {  	_ =	shalt  }
0x42: {  	_ =	shalt  }
0x43: {  	_ =	shalt  }
0x44: {  	_ =	shalt  }
0x45: {  	_ =	shalt  }
0x46: {  	_ =	shalt  }
0x47: {  	_ =	shalt  }
0x48: {  	_ =	shalt  }
0x49: {  	_ =	shalt  }
0x4a: {  	_ =	shalt  }
0x4b: {  	_ =	shalt  }
0x4c: {  	_ =	shalt  }
0x4d: {  	_ =	shalt  }
0x4e: {  	_ =	shalt  }
0x4f: {  	_ =	shalt  }
0x50: {  	_ =	shalt  }
0x51: {  	_ =	shalt  }
0x52: {  	_ =	shalt  }
0x53: {  	_ =	shalt  }
0x54: {  	_ =	shalt  }
0x55: {  	_ =	shalt  }
0x56: {  	_ =	shalt  }
0x57: {  	_ =	shalt  }
0x58: {  	_ =	shalt  }
0x59: {  	_ =	shalt  }
0x5a: {  	_ =	shalt  }
0x5b: {  	_ =	shalt  }
0x5c: {  	_ =	shalt  }
0x5d: {  	_ =	shalt  }
0x5e: {  	_ =	shalt  }
0x5f: {  	_ =	shalt  }
0x60: {  	_ =	shalt  }
0x61: {  	_ =	shalt  }
0x62: {  	_ =	shalt  }
0x63: {  	_ =	shalt  }
0x64: {  	_ =	shalt  }
0x65: {  	_ =	shalt  }
0x66: {  	_ =	shalt  }
0x67: {  	_ =	shalt  }
0x68: {  	_ =	shalt  }
0x69: {  	_ =	shalt  }
0x6a: {  	_ =	shalt  }
0x6b: {  	_ =	shalt  }
0x6c: {  	_ =	shalt  }
0x6d: {  	_ =	shalt  }
0x6e: {  	_ =	shalt  }
0x6f: {  	_ =	shalt  }
0x70: {  	_ =	shalt  }
0x71: {  	_ =	shalt  }
0x72: {  	_ =	shalt  }
0x73: {  	_ =	shalt  }
0x74: {  	_ =	shalt  }
0x75: {  	_ =	shalt  }
0x76: {  	_ =	shalt  }
0x77: {  	_ =	shalt  }
0x78: {  	_ =	shalt  }
0x79: {  	_ =	shalt  }
0x7a: {  	_ =	shalt  }
0x7b: {  	_ =	shalt  }
0x7c: {  	_ =	shalt  }
0x7d: {  	_ =	shalt  }
0x7e: {  	_ =	shalt  }
0x7f: {  	_ =	shalt  }
0x80: {  	_ =	shalt  }
0x81: {  	_ =	shalt  }
0x82: {  	_ =	shalt  }
0x83: {  	_ =	shalt  }
0x84: {  	_ =	shalt  }
0x85: {  	_ =	shalt  }
0x86: {  	_ =	shalt  }
0x87: {  	_ =	shalt  }
.Lfunc_end0:
.L_simem_size_0:
called_computation.2_lowered:
.L_overlay_start_0:
0x88: {  	s2 =	sld [smem:$0x3FD9]  }
0x89: {  	s3 =	sld [smem:$0x3FFE];
	_ =	sdelay $0x1  }
0x8a: {  	s1 =	srdreg.scid  }
0x8b: {  	s0 =	sand.u32 $0x1, s1  }
0x8c: {  	s17 =	sshll.u32 s0, $0xA;
	s2 =	sadd.s32 s3, s2  }
0x8d: {  	s2 =	sadd.s32 s2, s17  }
0x8e: {  	[smem:$0x3FC2] =	sst s2  }
0x8f: {  	_ = 	snop  }
0x90: {  	s2 =	sld [smem:$0x3FD0];
	(tm) =	ssettm $0x1  }
0x91: {  	s18 =	sld [smem:$0x3FFB];
	_ =	sdelay $0x3  }
0x92: {  	_ =	strace s18  }
0x93: {  	s3 =	sld [smem:$0x3FFC];
	_ =	sdelay $0x3  }
0x94: {  	_ =	strace s3  }
0x95: {  	s3 =	sld [smem:$0x3FFD];
	_ =	sdelay $0x3  }
0x96: {  	_ =	strace s3  }
0x97: {  	_ =	strace $0x8FFFFFFF  }
0x98: {  	s19 =	sld [smem:$0x3FDB];
	_ =	sdelay $0x1  }
0x99: {  	s4 =	simm.s32 $_scs_section_size  }
0x9a: {  	s5 =	simm.s32 $_size__tile_overlayer_lowered;
	s6 =	simm.s32 $_tile_overlayer_lowered  }
0x9b: {  	s22 =	simm.s32 $0x1BFF;
	s21 =	sshll.u32 s6, $0x1;
	s3 =	sadd.s32 s4, s19  }
0x9c: {  	s7 =	simm.s32 $0x0;
	s20 =	sshll.u32 s5, $0x1;
	s5 =	sadd.s32 s21, s3  }
0x9d: {  	[timem:s7], [sflag:s22] =	dma.local [hbm:s5], s20  }
0x9e: {  	_ =	swait.ge [sflag:s22], s20  }
0x9f: {  	s4 =	ssub.s32 $0x0, s20;
	[sflag:s22] =	ssyncset.done $0x0  }
0xa0: {  	[sflag:s22] =	ssyncadd.s32 s4;
	_ =	sdelay $0x1  }
0xa1: {  	s23 =	simm.s32 $0x1B8B  }
0xa2: {  	_ =	swait.ge [sflag:s23], $0x1  }
0xa3: {  	[sflag:s23] =	ssyncset.done $0x0  }
0xa4: {  	s25 =	simm.s32 $0x1B8E;
	s24 =	sld [smem:$0x3FFE];
	[sflag:s23] =	ssyncadd.s32 $0xFFFFFFFF  }
0xa5: {  	s26 =	simm.s32 $execute0_lowered;
	[smem:$0x3FD2] =	sst s25  }
0xa6: {  	s5 =	sshll.u32 s26, $0x1;
	_ =	strace $0x8000004C;
	[dreg:$0x1] =	wrdreg $0xFFFFFFFF  }
0xa7: {  	s28 =	simm.s32 $_size_execute0_lowered;
	s3 =	sadd.s32 s3, s5;
	[dreg:$0x0] =	wrdreg $0x0  }
0xa8: {  	s5 =	sshll.u32 s28, $0x1;
	[dreg:$0x2] =	wrdreg s3  }
0xa9: {  	[dreg:$0x3] =	wrdreg s5  }
0xaa: {  	[dreg:$0x4] =	wrdreg $0xC0  }
0xab: {  	_ =	task [dreg:s7], $0x5FFFF  }
0xac: {  	[dreg:$0x1] =	wrdreg $0xFFFFFFFF  }
0xad: {  	[dreg:$0x0] =	wrdreg $0x60  }
0xae: {  	[dreg:$0x2] =	wrdreg s24  }
0xaf: {  	[dreg:$0x3] =	wrdreg s2  }
0xb0: {  	[dreg:$0x4] =	wrdreg $0x41000  }
0xb1: {  	[dreg:$0x5] =	wrdreg $0x9  }
0xb2: {  	_ =	task.clear_ibuf [dreg:s7], $0x6FFFF;
	_ =	strace $0x9000004C  }
0xb3: {  	s29 =	simm.s32 $0x9;
	_ =	strace $0x8000004E  }
0xb4: {  	_ =	swait.ge [sflag:s29], $0x1  }
0xb5: {  	[sflag:s29] =	ssyncadd.s32 $0xFFFFFFFF  }
0xb6: {  	_ =	strace $0x9000004E  }
0xb7: {  	_ =	sfence  }
0xb8: {  	s30 =	sld [smem:$0x0];
	_ =	sdelay $0x2  }
0xb9: {  	s31 =	sshll.u32 s1, $0xD;
	s1 =	sshrl.u32 s1, $0x2  }
0xba: {  	s3 =	sand.u32 $0x4000, s31;
	s1 =	sadd.s32 s1, s30  }
0xbb: {  	s0 =	sor.u32 s3, s0;
	s1 =	sshll.u32 s1, $0x11  }
0xbc: {  	s0 =	sor.u32 s1, s0  }
0xbd: {  	s0 =	sadd.s32 $0x8F2B, s0  }
0xbe: {  	[sflag:s0] =	ssyncadd.remote.s32 $0x1  }
0xbf: {  	_ =	sfence.sel $0xFFFF  }
0xc0: {  	[dreg:$0x0] =	wrdreg $0xFFFFFFFF;
	(pc) =	sbr.abs _section_cstart, $3  }
0xc1: {  	[dreg:$0x1] =	wrdreg $0xFFFFFFFF  }
0xc2: {  	_ =	task.clear_ibuf [dreg:s7], $0x2FFFF;
	_ =	strace $0x9FFFFFFF  }
0xc3: {  	(tm) =	ssettm $0x7FFFFFFF  }
tec
execute0_lowered:
.L_overlay_start_1:
0x0: {  	(tag) =	ssettag $0x1  }
0x1: {  	s6 =	rddreg [dreg:$0x0]  }
0x2: {  	s8 =	rddreg [dreg:$0x1]  }
0x3: {  	s0 =	srdreg.scid;
	s2 =	stileid.u32  }
0x4: {  	s1 =	rddreg [dreg:$0x2];
	s3 =	simm.s32 $0x0;
	s10 =	smul.u32 $0x14000, s2  }
0x5: {  	s15 =	simm.s32 $0x1;
	s16 =	simm.s32 $0x0;
	s12 =	smul.u32 $0x50000, s2  }
0x6: {  	s5 =	sand.u32 $0x1, s0;
	s0 =	rddreg [dreg:$0x3];
	s14 =	smul.u32 $0x4F0, s2  }
0x7: {  	[smem:$0x7FF] =	sst s3;
	s4 =	sadd.s32 $0xC800, s6;
	s9 =	smul.u32 $0x4F00, s5  }
0x8: {  	s13 =	sshll.u32 s2, $0x6;
	s7 =	smul.u32 $0x140000, s5;
	s30 =	ssub.s32 $0x2, s5  }
0x9: {  	_ =	strace $0x8000004D;
	s5 =	sadd.s32 $0x34800, s6;
	s31 =	sshrl.u32 s30, $0x1  }
0xa: {  	s12 =	sshrl.u32 s12, $0x2;
	s11 =	sadd.s32 s9, s6;
	s7 =	sadd.s32 s10, s7  }
0xb: {  	s10 =	ssub.s32 s30, s31;
	s12 =	sadd.s32 s12, s1;
	s9 =	sadd.s32 s9, s8  }
0xc: {  	s7 =	sshrl.u32 s7, $0x3;
	s11 =	sadd.s32 s14, s11;
	s8 =	smax.u32 s10, $0x1  }
0xd: {  	s9 =	sadd.s32 s14, s9;
	s14 =	simm.s32 $0x100;
	s7 =	sadd.s32 s7, s6  }
0xe: {  	s6 =	sor.u32 $0x1C02, s13;
	s10 =	sadd.s32 $0x2A00, s11;
	s11 =	sshrl.u32 s12, $0x3  }
0xf: {  	s12 =	simm.s32 $0x2;
	s13 =	simm.s32 $0x80;
	s7 =	sadd.s32 $0x37000, s7  }
.LBB2_1:
0x10: {  	[spmem:s11], [sflag:s6] =	dma.local [hbm:s5], $0x2800  }
0x11: {  	_ =	swait.ge [sflag:s12], $0x2800  }
0x12: {  	[sflag:s12] =	ssyncset.done $0x0  }
0x13: {  	[sflag:s12] =	ssyncadd.s32 $0xFFFFD800  }
0x14: {  	s17 =	sadd.s32 $0x0, s10;
	[bflag:$0x0] =	sbarrier.arrive $0xFFFF  }
0x15: {  	[tilespmem:s3], [sflag:$0x2] =	stream.linear.gather [hbm4b:s17+s3], $0x80, $0x38;
	[tilespmem:$0x18100] =	vst v63  }
0x16: {  	_ =	swait.ge [sflag:s12], $0x80  }
0x17: {  	[sflag:s12] =	ssyncset.done $0x0  }
0x18: {  	s31 =	sadd.s32 $0x0, s9;
	[sflag:s12] =	ssyncadd.s32 $0xFFFFFF80  }
0x19: {  	[tilespmem:s13], [sflag:$0x2] =	stream.linear.gather [hbm4b:s31+s3], $0x80, $0x38;
	[tilespmem:$0x18100] =	vst v63  }
0x1a: {  	_ =	swait.ge [sflag:s12], $0x80  }
0x1b: {  	[sflag:s12] =	ssyncset.done $0x0  }
0x1c: {  	[sflag:s12] =	ssyncadd.s32 $0xFFFFFF80  }
0x1d: {  	[tilespmem:s14], [sflag:$0x1] =	stream.indirect.gather [hbm4b:s4+s13], $0x80, s3, s13, $0xb8;
	[tilespmem:$0x18100] =	vst v63  }
0x1e: {  	_ =	swait.ge [sflag:s15], $0x4000  }
0x1f: {  	[sflag:s15] =	ssyncset.done $0x0  }
0x20: {  	[sflag:s15] =	ssyncadd.s32 $0xFFFFC000  }
0x21: {  	[spmem:s1] =	stream.indirect.scatter.add.f32 [tilespmem:s14], [sflag:$0x2], $0x80, s13, s13, $0xb8;
	[tilespmem:$0x18100] =	vst v63  }
0x22: {  	_ =	swait.ge [sflag:s12], $0x4000  }
0x23: {  	s18 =	simm.s32 $0x20;
	s17 =	simm.s32 $0x10;
	[sflag:s12] =	ssyncset.done $0x0  }
.LBB2_2:
0x24: {  	s19 =	sadd.s32 s17, s10  }
0x25: {  	[sflag:s12] =	ssyncadd.s32 $0xFFFFC000;
	s20 =	smov.u32 s18;
	s21 =	sadd.s32 $0x10, s18  }
0x26: {  	[tilespmem:s3], [sflag:$0x2] =	stream.linear.gather [hbm4b:s19+s3], $0x80, $0x38;
	[tilespmem:$0x18100] =	vst v63  }
0x27: {  	p0 =	sne.s32 s18, $0x4E0;
	_ =	swait.ge [sflag:s12], $0x80  }
0x28: {  	[sflag:s12] =	ssyncset.done $0x0  }
0x29: {  	s18 =	sadd.s32 s17, s9;
	s17 =	smov.u32 s20;
	[sflag:s12] =	ssyncadd.s32 $0xFFFFFF80  }
0x2a: {  	[tilespmem:s13], [sflag:$0x2] =	stream.linear.gather [hbm4b:s18+s3], $0x80, $0x38;
	[tilespmem:$0x18100] =	vst v63  }
0x2b: {  	_ =	swait.ge [sflag:s12], $0x80  }
0x2c: {  	[sflag:s12] =	ssyncset.done $0x0  }
0x2d: {  	[sflag:s12] =	ssyncadd.s32 $0xFFFFFF80  }
0x2e: {  	[tilespmem:s14], [sflag:$0x1] =	stream.indirect.gather [hbm4b:s4+s13], $0x80, s3, s13, $0xb8;
	[tilespmem:$0x18100] =	vst v63  }
0x2f: {  	_ =	swait.ge [sflag:s15], $0x4000  }
.Ltmp0:
0x30: {  	[sflag:s15] =	ssyncset.done $0x0;
	(pc) =	sbr.rel @p0 .LBB2_2-.Ltmp0, $4  }
0x31: {  	[sflag:s15] =	ssyncadd.s32 $0xFFFFC000  }
0x32: {  	[spmem:s1] =	stream.indirect.scatter.add.f32 [tilespmem:s14], [sflag:$0x2], $0x80, s13, s13, $0xb8;
	[tilespmem:$0x18100] =	vst v63  }
0x33: {  	_ =	swait.ge [sflag:s12], $0x4000  }
0x34: {  	s18 =	smov.u32 s21;
	[sflag:s12] =	ssyncset.done $0x0  }
0x35: {  	s18 =	sadd.s32 s17, s10;
	[sflag:s12] =	ssyncadd.s32 $0xFFFFC000  }
0x36: {  	[tilespmem:s3], [sflag:$0x2] =	stream.linear.gather [hbm4b:s18+s3], $0x80, $0x38;
	[tilespmem:$0x18100] =	vst v63  }
0x37: {  	_ =	swait.ge [sflag:s12], $0x80  }
0x38: {  	[sflag:s12] =	ssyncset.done $0x0  }
0x39: {  	s31 =	sadd.s32 s17, s9;
	[sflag:s12] =	ssyncadd.s32 $0xFFFFFF80  }
0x3a: {  	[tilespmem:s13], [sflag:$0x2] =	stream.linear.gather [hbm4b:s31+s3], $0x80, $0x38;
	[tilespmem:$0x18100] =	vst v63  }
0x3b: {  	_ =	swait.ge [sflag:s12], $0x80  }
0x3c: {  	[sflag:s12] =	ssyncset.done $0x0  }
0x3d: {  	[sflag:s12] =	ssyncadd.s32 $0xFFFFFF80  }
0x3e: {  	[tilespmem:s14], [sflag:$0x1] =	stream.indirect.gather [hbm4b:s4+s13], $0x80, s3, s13, $0xb8;
	[tilespmem:$0x18100] =	vst v63  }
0x3f: {  	_ =	swait.ge [sflag:s15], $0x4000  }
0x40: {  	[sflag:s15] =	ssyncset.done $0x0  }
0x41: {  	[sflag:s15] =	ssyncadd.s32 $0xFFFFC000  }
0x42: {  	[spmem:s1] =	stream.indirect.scatter.add.f32 [tilespmem:s14], [sflag:$0x2], $0x80, s13, s13, $0xb8;
	[tilespmem:$0x18100] =	vst v63  }
0x43: {  	_ =	swait.ge [sflag:s12], $0x4000  }
0x44: {  	s16 =	sadd.s32 $0x1, s16;
	[sflag:s12] =	ssyncset.done $0x0  }
0x45: {  	p0 =	sne.s32 s16, s8;
	[sflag:s12] =	ssyncadd.s32 $0xFFFFC000  }
.Ltmp1:
0x46: {  	[bflag:$0x0] =	sbarrier.arrive $0xFFFF;
	(pc) =	sbr.rel @p0 .LBB2_1-.Ltmp1, $4  }
0x47: {  	[hbm:s7], [sflag:s6] =	dma.local [spmem:s11], $0x2800  }
0x48: {  	_ =	swait.ge [sflag:s12], $0x2800  }
0x49: {  	[sflag:s12] =	ssyncset.done $0x0  }
0x4a: {  	[sflag:s12] =	ssyncadd.s32 $0xFFFFD800  }
0x4b: {  	_ =	sfence.sel $0x180000  }
0x4c: {  	[bflag:$0x0] =	sbarrier.arrive $0xFFFF  }
0x4d: {  	p0 =	sne.s32 s2, $0x0;
	_ =	strace $0x9000004D  }
0x4e: {  	s0 =	sadd.s32 @!p0 $0x100000, s0;
	[bflag:$0x2] =	sbarrier.arrive $0xFFFF  }
0x4f: {  	[sflag:s0] =	ssyncadd.tile.s32 @!p0 $0x1;
	_ =	shalt  }
.Lfunc_end2:
_tile_overlayer_lowered:
.L_overlay_start_2:
0x50: {  	(tag) =	ssettag $0x2  }
0x51: {  	s0 =	rddreg [dreg:$0x0];
	s2 =	stileid.u32  }
0x52: {  	s1 =	rddreg [dreg:$0x1];
	p0 =	sne.s32 s2, $0x0  }
0x53: {  	s3 =	rddreg [dreg:$0x2];
	[bflag:$0x3] =	sbarrier.arrive $0xFFFF;
	s2 =	simm.s32 @!p0 $0x1C02  }
0x54: {  	[timem:s3], [sflag:s2] =	dma.local @!p0 [hbm:s0], s1  }
0x55: {  	s0 =	simm.s32 @!p0 $0x2  }
0x56: {  	_ =	swait.ge @!p0 [sflag:s0], s1  }
0x57: {  	s1 =	ssub.s32 @!p0 $0x0, s1;
	[sflag:s0] =	ssyncset.done @!p0 $0x0  }
0x58: {  	[sflag:s0] =	ssyncadd.s32 @!p0 s1  }
0x59: {  	[bflag:$0x3] =	sbarrier.arrive $0xFFFF  }
0x5a: {  	_ =	shalt  }

// kernel: kernel.8.cloned.1.call-start
scs
__scs_entry_jumppad:
0x0: {  	(pc) =	sbr.rel $0x88, $3  }
0x1: {  	(tag) =	ssettag $0x0;
	lr =	simm.s32 $0x1  }
0x2: {  	[smem:$0x3F9B] =	sst lr;
	_ =	strace $0xD0000000  }
0x3: {  	_ = 	snop  }
0x4: {  	_ = 	snop  }
0x5: {  	_ = 	snop  }
0x6: {  	_ = 	snop  }
0x7: {  	_ = 	snop  }
__scs_overlays_trampoline_lowered:
0x8: {  	[smem:$0x3FAA] =	sst s0  }
0x9: {  	[smem:$0x3FAB] =	sst s1  }
0xa: {  	[smem:$0x3FAC] =	sst s2  }
0xb: {  	[smem:$0x3FAD] =	sst s3  }
0xc: {  	[smem:$0x3FAE] =	sst s4  }
0xd: {  	[smem:$0x3FAF] =	sst s5  }
0xe: {  	[smem:$0x3FB0] =	sst s6  }
0xf: {  	[smem:$0x3FB1] =	sst s7  }
0x10: {  	[smem:$0x3FB2] =	sst s8  }
0x11: {  	[smem:$0x3FB3] =	sst s9;
	s0 =	simm.s32 @!p0 $0x0  }
0x12: {  	s1 =	sld [smem:$0x3F99];
	s0 =	simm.s32 @p0 $0x1  }
0x13: {  	[smem:$0x3FB4] =	sst s0;
	s0 =	simm.s32 @!p1 $0x0  }
0x14: {  	s2 =	sld [smem:$0x3F98];
	s0 =	simm.s32 @p1 $0x1  }
0x15: {  	[smem:$0x3FB5] =	sst s0;
	s0 =	simm.s32 @!p2 $0x0  }
0x16: {  	s3 =	sld [smem:$0x3FDB];
	s0 =	simm.s32 @p2 $0x1  }
0x17: {  	s4 =	simm.s32 $0x1BF5;
	[smem:$0x3FB7] =	sst s0  }
0x18: {  	s0 =	sld [smem:$0x3F9A];
	_ =	swait.ge [sflag:s4], $0x0  }
0x19: {  	s7 =	sld [smem:$0x3F9B]  }
0x1a: {  	s8 =	sadd.s32 $0xFFFFE003, lr  }
0x1b: {  	s9 =	sadd.s32 $0xFFFFFEF7, lr;
	s5 =	simm.s32 $0xFFFFFFFF;
	p2 =	slt.u32 s8, $0xFFFFF086  }
0x1c: {  	p1 =	slt.u32 s9, $0xF7A;
	s5 =	simm.s32 @!p2 $0x0  }
0x1d: {  	s5 =	simm.s32 @p1 $0x1;
	p0 =	seq.s32 s7, s2  }
0x1e: {  	s7 =	smul.u32 @!p0 $0xF7A, s2;
	p2 =	seq.s32 @!p0 s5, $0x0  }
0x1f: {  	s9 =	smul.u32 $0xF7A, s1;
	s8 =	simm.s32 @!p0 $0x1BF5;
	p2 =	por !p2, p0  }
0x20: {  	[sflag:s8] =	ssyncset.s32 @!p0 $0xFFFFF086;
	s6 =	sadd.s32 @!p0 s3, s7;
	s7 =	simm.s32 @!p0 $0x108  }
0x21: {  	s3 =	sadd.s32 s3, s9;
	s6 =	sadd.s32 @!p0 $0x88, s6;
	s7 =	simm.s32 @p2 $0x1082  }
0x22: {  	[simem:s7], [sflag:s8] =	dma.local @!p0 [hbm:s6], $0xF7A  }
0x23: {  	s9 =	sor.u32 $0xD0000000, s2;
	s6 =	simm.s32 $0x108;
	_ =	swait.ge @!p0 [sflag:s8], $0x0  }
0x24: {  	s3 =	sadd.s32 $0x88, s3;
	s6 =	simm.s32 @!p1 $0x1082;
	[sflag:s4] =	ssyncset.s32 $0xFFFFF086  }
0x25: {  	[simem:s6], [sflag:s4] =	dma.local [hbm:s3], $0xF7A  }
0x26: {  	[smem:$0x3F9B] =	sst s1;
	(tag) =	ssettag s2;
	_ =	strace s9  }
0x27: {  	s1 =	sld [smem:$0x3FAB]  }
0x28: {  	s2 =	sld [smem:$0x3FAC]  }
0x29: {  	s4 =	sld [smem:$0x3FAE]  }
0x2a: {  	p0 =	seq.s32 s5, $0x0;
	s5 =	sld [smem:$0x3FAF]  }
0x2b: {  	s6 =	sld [smem:$0x3FB0]  }
0x2c: {  	s7 =	sld [smem:$0x3FB1]  }
0x2d: {  	s3 =	simm.s32 $0x108;
	s8 =	sld [smem:$0x3FB2]  }
0x2e: {  	s3 =	simm.s32 @!p0 $0x1082;
	s9 =	sld [smem:$0x3FB3]  }
0x2f: {  	lr =	sadd.s32 s0, s3;
	s0 =	sld [smem:$0x3FAA]  }
0x30: {  	s3 =	sld [smem:$0x3FAD]  }
0x31: {  	[smem:$0x3FB6] =	sst s10  }
0x32: {  	s10 =	sld [smem:$0x3FB4];
	_ =	sdelay $0x3  }
0x33: {  	p0 =	seq.s32 s10, $0x1;
	s10 =	sld [smem:$0x3FB6];
	_ =	sdelay $0x3  }
0x34: {  	[smem:$0x3FB6] =	sst s10  }
0x35: {  	s10 =	sld [smem:$0x3FB5];
	_ =	sdelay $0x3  }
0x36: {  	p1 =	seq.s32 s10, $0x1;
	s10 =	sld [smem:$0x3FB6];
	_ =	sdelay $0x3  }
0x37: {  	[smem:$0x3FB6] =	sst s10  }
0x38: {  	s10 =	sld [smem:$0x3FB7]  }
0x39: {  	_ = 	snop;
	(pc) =	sbr.ind lr, $3  }
0x3a: {  	_ = 	snop  }
0x3b: {  	_ = 	snop  }
0x3c: {  	p2 =	seq.s32 s10, $0x1;
	s10 =	sld [smem:$0x3FB6]  }
0x3d: {  	_ =	shalt  }
0x3e: {  	_ =	shalt  }
0x3f: {  	_ =	shalt  }
0x40: {  	_ =	shalt  }
0x41: {  	_ =	shalt  }
0x42: {  	_ =	shalt  }
0x43: {  	_ =	shalt  }
0x44: {  	_ =	shalt  }
0x45: {  	_ =	shalt  }
0x46: {  	_ =	shalt  }
0x47: {  	_ =	shalt  }
0x48: {  	_ =	shalt  }
0x49: {  	_ =	shalt  }
0x4a: {  	_ =	shalt  }
0x4b: {  	_ =	shalt  }
0x4c: {  	_ =	shalt  }
0x4d: {  	_ =	shalt  }
0x4e: {  	_ =	shalt  }
0x4f: {  	_ =	shalt  }
0x50: {  	_ =	shalt  }
0x51: {  	_ =	shalt  }
0x52: {  	_ =	shalt  }
0x53: {  	_ =	shalt  }
0x54: {  	_ =	shalt  }
0x55: {  	_ =	shalt  }
0x56: {  	_ =	shalt  }
0x57: {  	_ =	shalt  }
0x58: {  	_ =	shalt  }
0x59: {  	_ =	shalt  }
0x5a: {  	_ =	shalt  }
0x5b: {  	_ =	shalt  }
0x5c: {  	_ =	shalt  }
0x5d: {  	_ =	shalt  }
0x5e: {  	_ =	shalt  }
0x5f: {  	_ =	shalt  }
0x60: {  	_ =	shalt  }
0x61: {  	_ =	shalt  }
0x62: {  	_ =	shalt  }
0x63: {  	_ =	shalt  }
0x64: {  	_ =	shalt  }
0x65: {  	_ =	shalt  }
0x66: {  	_ =	shalt  }
0x67: {  	_ =	shalt  }
0x68: {  	_ =	shalt  }
0x69: {  	_ =	shalt  }
0x6a: {  	_ =	shalt  }
0x6b: {  	_ =	shalt  }
0x6c: {  	_ =	shalt  }
0x6d: {  	_ =	shalt  }
0x6e: {  	_ =	shalt  }
0x6f: {  	_ =	shalt  }
0x70: {  	_ =	shalt  }
0x71: {  	_ =	shalt  }
0x72: {  	_ =	shalt  }
0x73: {  	_ =	shalt  }
0x74: {  	_ =	shalt  }
0x75: {  	_ =	shalt  }
0x76: {  	_ =	shalt  }
0x77: {  	_ =	shalt  }
0x78: {  	_ =	shalt  }
0x79: {  	_ =	shalt  }
0x7a: {  	_ =	shalt  }
0x7b: {  	_ =	shalt  }
0x7c: {  	_ =	shalt  }
0x7d: {  	_ =	shalt  }
0x7e: {  	_ =	shalt  }
0x7f: {  	_ =	shalt  }
0x80: {  	_ =	shalt  }
0x81: {  	_ =	shalt  }
0x82: {  	_ =	shalt  }
0x83: {  	_ =	shalt  }
0x84: {  	_ =	shalt  }
0x85: {  	_ =	shalt  }
0x86: {  	_ =	shalt  }
0x87: {  	_ =	shalt  }
.Lfunc_end0:
.L_simem_size_0:
called_computation_lowered:
.L_overlay_start_0:
0x88: {  	s2 =	sld [smem:$0x3FD9]  }
0x89: {  	s3 =	sld [smem:$0x3FFE];
	_ =	sdelay $0x1  }
0x8a: {  	s1 =	srdreg.scid  }
0x8b: {  	s0 =	sand.u32 $0x1, s1  }
0x8c: {  	s17 =	sshll.u32 s0, $0xA;
	s2 =	sadd.s32 s3, s2  }
0x8d: {  	s2 =	sadd.s32 s2, s17  }
0x8e: {  	[smem:$0x3FC2] =	sst s2  }
0x8f: {  	_ = 	snop  }
0x90: {  	s2 =	sld [smem:$0x3FD0];
	(tm) =	ssettm $0x1  }
0x91: {  	s18 =	sld [smem:$0x3FFB];
	_ =	sdelay $0x3  }
0x92: {  	_ =	strace s18  }
0x93: {  	s3 =	sld [smem:$0x3FFC];
	_ =	sdelay $0x3  }
0x94: {  	_ =	strace s3  }
0x95: {  	s3 =	sld [smem:$0x3FFD];
	_ =	sdelay $0x3  }
0x96: {  	_ =	strace s3  }
0x97: {  	_ =	strace $0x8FFFFFFF  }
0x98: {  	s19 =	sld [smem:$0x3FDB];
	_ =	sdelay $0x1  }
0x99: {  	s4 =	simm.s32 $_scs_section_size  }
0x9a: {  	s5 =	simm.s32 $_size__tile_overlayer_lowered;
	s6 =	simm.s32 $_tile_overlayer_lowered  }
0x9b: {  	s22 =	simm.s32 $0x1BFF;
	s21 =	sshll.u32 s6, $0x1;
	s3 =	sadd.s32 s4, s19  }
0x9c: {  	s7 =	simm.s32 $0x0;
	s20 =	sshll.u32 s5, $0x1;
	s5 =	sadd.s32 s21, s3  }
0x9d: {  	[timem:s7], [sflag:s22] =	dma.local [hbm:s5], s20  }
0x9e: {  	_ =	swait.ge [sflag:s22], s20  }
0x9f: {  	s4 =	ssub.s32 $0x0, s20;
	[sflag:s22] =	ssyncset.done $0x0  }
0xa0: {  	[sflag:s22] =	ssyncadd.s32 s4;
	_ =	sdelay $0x1  }
0xa1: {  	s23 =	simm.s32 $0x1B8B  }
0xa2: {  	_ =	swait.ge [sflag:s23], $0x1  }
0xa3: {  	[sflag:s23] =	ssyncset.done $0x0  }
0xa4: {  	s25 =	simm.s32 $0x1B8E;
	s24 =	sld [smem:$0x3FFE];
	[sflag:s23] =	ssyncadd.s32 $0xFFFFFFFF  }
0xa5: {  	s26 =	simm.s32 $execute0_lowered;
	[smem:$0x3FD2] =	sst s25  }
0xa6: {  	s5 =	sshll.u32 s26, $0x1;
	_ =	strace $0x80000046;
	[dreg:$0x1] =	wrdreg $0xFFFFFFFF  }
0xa7: {  	s28 =	simm.s32 $_size_execute0_lowered;
	s3 =	sadd.s32 s3, s5;
	[dreg:$0x0] =	wrdreg $0x0  }
0xa8: {  	s5 =	sshll.u32 s28, $0x1;
	[dreg:$0x2] =	wrdreg s3  }
0xa9: {  	[dreg:$0x3] =	wrdreg s5  }
0xaa: {  	[dreg:$0x4] =	wrdreg $0xC0  }
0xab: {  	_ =	task [dreg:s7], $0x5FFFF  }
0xac: {  	[dreg:$0x1] =	wrdreg $0xFFFFFFFF  }
0xad: {  	[dreg:$0x0] =	wrdreg $0x60  }
0xae: {  	[dreg:$0x2] =	wrdreg s2  }
0xaf: {  	[dreg:$0x3] =	wrdreg s24  }
0xb0: {  	[dreg:$0x4] =	wrdreg $0x1000  }
0xb1: {  	[dreg:$0x5] =	wrdreg $0x9  }
0xb2: {  	_ =	task.clear_ibuf [dreg:s7], $0x6FFFF;
	_ =	strace $0x90000046  }
0xb3: {  	s29 =	simm.s32 $0x9;
	_ =	strace $0x80000048  }
0xb4: {  	_ =	swait.ge [sflag:s29], $0x1  }
0xb5: {  	[sflag:s29] =	ssyncadd.s32 $0xFFFFFFFF  }
0xb6: {  	_ =	strace $0x90000048  }
0xb7: {  	_ =	sfence  }
0xb8: {  	s30 =	sld [smem:$0x0];
	_ =	sdelay $0x2  }
0xb9: {  	s31 =	sshll.u32 s1, $0xD;
	s1 =	sshrl.u32 s1, $0x2  }
0xba: {  	s3 =	sand.u32 $0x4000, s31;
	s1 =	sadd.s32 s1, s30  }
0xbb: {  	s0 =	sor.u32 s3, s0;
	s1 =	sshll.u32 s1, $0x11  }
0xbc: {  	s0 =	sor.u32 s1, s0  }
0xbd: {  	s0 =	sadd.s32 $0x8F2B, s0  }
0xbe: {  	[sflag:s0] =	ssyncadd.remote.s32 $0x1  }
0xbf: {  	_ =	sfence.sel $0xFFFF  }
0xc0: {  	[dreg:$0x0] =	wrdreg $0xFFFFFFFF;
	(pc) =	sbr.abs _section_cstart, $3  }
0xc1: {  	[dreg:$0x1] =	wrdreg $0xFFFFFFFF  }
0xc2: {  	_ =	task.clear_ibuf [dreg:s7], $0x2FFFF;
	_ =	strace $0x9FFFFFFF  }
0xc3: {  	(tm) =	ssettm $0x7FFFFFFF  }
tec
execute0_lowered:
.L_overlay_start_1:
0x0: {  	(tag) =	ssettag $0x1  }
0x1: {  	s8 =	rddreg [dreg:$0x0]  }
0x2: {  	s6 =	rddreg [dreg:$0x1]  }
0x3: {  	s2 =	rddreg [dreg:$0x2]  }
0x4: {  	s0 =	rddreg [dreg:$0x3]  }
0x5: {  	s4 =	srdreg.scid;
	s1 =	stileid.u32;
	s3 =	simm.s32 $0x0  }
0x6: {  	s14 =	simm.s32 $0x10;
	s15 =	simm.s32 $0x0;
	s26 =	smul.u32 $0x500, s1  }
0x7: {  	s7 =	sand.u32 $0x1, s4;
	[smem:$0x7FF] =	sst s3;
	s10 =	smul.u32 $0xA00, s1  }
0x8: {  	s4 =	sadd.s32 $0xC800, s6;
	s30 =	smul.u32 $0x4F0, s1;
	s31 =	sshll.u32 s1, $0x6  }
0x9: {  	s5 =	sshll.u32 s7, $0x7;
	_ =	strace $0x80000047;
	s28 =	ssub.s32 $0x2, s7  }
0xa: {  	s12 =	smul.u32 $0x4F00, s7;
	s5 =	sor.u32 s5, s26;
	s11 =	sshrl.u32 s28, $0x1  }
0xb: {  	s10 =	sshrl.u32 s10, $0x2;
	s9 =	sshrl.u32 s5, $0x3;
	s5 =	sadd.s32 $0xCA00, s6  }
0xc: {  	s29 =	ssub.s32 s28, s11;
	s13 =	sadd.s32 s10, s2;
	s8 =	sadd.s32 s12, s8  }
0xd: {  	s10 =	simm.s32 $0x1;
	s11 =	sor.u32 $0x1C01, s31;
	s6 =	sadd.s32 s9, s6  }
0xe: {  	s7 =	smax.u32 s29, $0x1;
	s8 =	sadd.s32 s30, s8;
	s9 =	simm.s32 $0x80  }
0xf: {  	s12 =	sshrl.u32 s13, $0x3;
	s13 =	simm.s32 $0x20;
	s6 =	sadd.s32 $0xCC00, s6  }
.LBB2_1:
0x10: {  	[tilespmem:s9], [sflag:$0x1] =	stream.linear.gather [hbm4b:s4+s3], $0x80, $0x38;
	[tilespmem:$0x380] =	vst v63  }
0x11: {  	_ =	swait.ge [sflag:s10], $0x80  }
0x12: {  	[sflag:s10] =	ssyncset.done $0x0  }
0x13: {  	[sflag:s10] =	ssyncadd.s32 $0xFFFFFF80  }
0x14: {  	[spmem:s12], [sflag:s11] =	dma.local [hbm:s5], $0x50  }
0x15: {  	_ =	swait.ge [sflag:s10], $0x50  }
0x16: {  	[sflag:s10] =	ssyncset.done $0x0  }
0x17: {  	[sflag:s10] =	ssyncadd.s32 $0xFFFFFFB0  }
0x18: {  	s16 =	sadd.s32 $0x0, s8;
	[bflag:$0x0] =	sbarrier.arrive $0xFFFF  }
0x19: {  	[tilespmem:s3], [sflag:$0x1] =	stream.linear.gather [hbm4b:s16+s3], $0x80, $0x38;
	[tilespmem:$0x380] =	vst v63  }
0x1a: {  	_ =	swait.ge [sflag:s10], $0x80  }
0x1b: {  	[sflag:s10] =	ssyncset.done $0x0  }
0x1c: {  	[sflag:s10] =	ssyncadd.s32 $0xFFFFFF80  }
0x1d: {  	[spmem:s2] =	stream.indirect.scatter.add.f32 [tilespmem:s9], [sflag:$0x1], $0x1, s3, s9, $0xb8;
	[tilespmem:$0x380] =	vst v63  }
0x1e: {  	_ =	swait.ge [sflag:s10], $0x80  }
0x1f: {  	s17 =	simm.s32 $0x20;
	s16 =	simm.s32 $0x10;
	[sflag:s10] =	ssyncset.done $0x0  }
.LBB2_2:
0x20: {  	s18 =	sadd.s32 s16, s8  }
0x21: {  	[sflag:s10] =	ssyncadd.s32 $0xFFFFFF80;
	s16 =	smov.u32 s17;
	s19 =	sadd.s32 $0x10, s17  }
0x22: {  	[tilespmem:s3], [sflag:$0x1] =	stream.linear.gather [hbm4b:s18+s3], $0x80, $0x38;
	[tilespmem:$0x380] =	vst v63  }
0x23: {  	p0 =	sne.s32 s17, $0x4E0;
	_ =	swait.ge [sflag:s10], $0x80  }
.Ltmp0:
0x24: {  	[sflag:s10] =	ssyncset.done $0x0;
	(pc) =	sbr.rel @p0 .LBB2_2-.Ltmp0, $4  }
0x25: {  	[sflag:s10] =	ssyncadd.s32 $0xFFFFFF80  }
0x26: {  	[spmem:s2] =	stream.indirect.scatter.add.f32 [tilespmem:s9], [sflag:$0x1], $0x1, s3, s9, $0xb8;
	[tilespmem:$0x380] =	vst v63  }
0x27: {  	_ =	swait.ge [sflag:s10], $0x80  }
0x28: {  	s17 =	smov.u32 s19;
	[sflag:s10] =	ssyncset.done $0x0  }
0x29: {  	s16 =	sadd.s32 s16, s8;
	[sflag:s10] =	ssyncadd.s32 $0xFFFFFF80  }
0x2a: {  	[tilespmem:s3], [sflag:$0x1] =	stream.linear.gather [hbm4b:s16+s3], $0x80, $0x38;
	[tilespmem:$0x380] =	vst v63  }
0x2b: {  	_ =	swait.ge [sflag:s10], $0x80  }
0x2c: {  	[sflag:s10] =	ssyncset.done $0x0  }
0x2d: {  	[sflag:s10] =	ssyncadd.s32 $0xFFFFFF80  }
0x2e: {  	[spmem:s2] =	stream.indirect.scatter.add.f32 [tilespmem:s9], [sflag:$0x1], $0x1, s3, s9, $0xb8;
	[tilespmem:$0x380] =	vst v63  }
0x2f: {  	_ =	swait.ge [sflag:s10], $0x80  }
0x30: {  	s15 =	sadd.s32 $0x1, s15;
	[sflag:s10] =	ssyncset.done $0x0  }
0x31: {  	p0 =	sne.s32 s15, s7;
	[sflag:s10] =	ssyncadd.s32 $0xFFFFFF80  }
.Ltmp1:
0x32: {  	[bflag:$0x0] =	sbarrier.arrive $0xFFFF;
	(pc) =	sbr.rel @p0 .LBB2_1-.Ltmp1, $4  }
0x33: {  	[hbm:s6@s13], [sflag:s11] =	dma.strided [spmem:s12@s14], $0x50, s10, $0x10   }
0x34: {  	_ =	swait.ge [sflag:s10], $0x50  }
0x35: {  	[sflag:s10] =	ssyncset.done $0x0  }
0x36: {  	[sflag:s10] =	ssyncadd.s32 $0xFFFFFFB0  }
0x37: {  	_ =	sfence.sel $0x180000  }
0x38: {  	[bflag:$0x0] =	sbarrier.arrive $0xFFFF  }
0x39: {  	p0 =	sne.s32 s1, $0x0;
	_ =	strace $0x90000047  }
0x3a: {  	s0 =	sadd.s32 @!p0 $0x100000, s0;
	[bflag:$0x2] =	sbarrier.arrive $0xFFFF  }
0x3b: {  	[sflag:s0] =	ssyncadd.tile.s32 @!p0 $0x1;
	_ =	shalt  }
.Lfunc_end2:
_tile_overlayer_lowered:
.L_overlay_start_2:
0x3c: {  	(tag) =	ssettag $0x2  }
0x3d: {  	s0 =	rddreg [dreg:$0x0];
	s2 =	stileid.u32  }
0x3e: {  	s1 =	rddreg [dreg:$0x1];
	p0 =	sne.s32 s2, $0x0  }
0x3f: {  	s3 =	rddreg [dreg:$0x2];
	[bflag:$0x3] =	sbarrier.arrive $0xFFFF;
	s2 =	simm.s32 @!p0 $0x1C01  }
0x40: {  	[timem:s3], [sflag:s2] =	dma.local @!p0 [hbm:s0], s1  }
0x41: {  	s0 =	simm.s32 @!p0 $0x1  }
0x42: {  	_ =	swait.ge @!p0 [sflag:s0], s1  }
0x43: {  	s1 =	ssub.s32 @!p0 $0x0, s1;
	[sflag:s0] =	ssyncset.done @!p0 $0x0  }
0x44: {  	[sflag:s0] =	ssyncadd.s32 @!p0 s1  }
0x45: {  	[bflag:$0x3] =	sbarrier.arrive $0xFFFF  }
0x46: {  	_ =	shalt  }

</sc_bundles>
